<compile_context>
chip_gen: v7x
topology: tpu7x:2x2x1
jax: 0.10.2.dev20260603
libtpu: 0.0.44.dev20260713+nightly
codegen_flags: <defaults>
</compile_context>

<pallas_src>
import functools

import jax
import jax.numpy as jnp
from jax.experimental import pallas as pl
from jax.experimental.pallas import tpu as pltpu

D_MODEL = 192
N_WIN = 28
NUM_HEADS = 6
TOPK = 4
HW = 8
P2 = N_WIN * N_WIN
W2 = HW * HW
CH = D_MODEL // NUM_HEADS
SCALE = float(D_MODEL) ** -0.5
WB = 7


def _relayout_body(x_ref, patch_ref, mean_ref):
    x = x_ref[...].reshape(HW, D_MODEL, N_WIN * HW)
    t = jnp.transpose(x, (0, 2, 1))
    y = t.reshape(HW, N_WIN, HW, D_MODEL)
    y = jnp.transpose(y, (1, 0, 2, 3)).reshape(N_WIN, W2, D_MODEL)
    patch_ref[...] = y
    mean_ref[...] = (jnp.sum(y, axis=1, keepdims=True)
                     * (1.0 / W2)).reshape(1, N_WIN, D_MODEL)


def _relayout_pool(arr_t, n_rows):
    return pl.pallas_call(
        _relayout_body,
        grid=(n_rows,),
        in_specs=[pl.BlockSpec(
            (1, HW, D_MODEL, N_WIN * HW),
            lambda g: (g // N_WIN, g % N_WIN, 0, 0))],
        out_specs=[
            pl.BlockSpec((N_WIN, W2, D_MODEL), lambda g: (g, 0, 0)),
            pl.BlockSpec((1, N_WIN, D_MODEL), lambda g: (g, 0, 0)),
        ],
        out_shape=[
            jax.ShapeDtypeStruct((n_rows * N_WIN, W2, D_MODEL), jnp.float32),
            jax.ShapeDtypeStruct((n_rows, N_WIN, D_MODEL), jnp.float32),
        ],
    )(arr_t)


def _route_body(qw_ref, kw_ref, idx_ref):
    q = qw_ref[...].reshape(P2, D_MODEL) * SCALE
    k = kw_ref[...].reshape(2 * P2, D_MODEL)
    logit = jax.lax.dot_general(q, k, (((1,), (1,)), ((), ())),
                                preferred_element_type=jnp.float32)
    iota = jax.lax.broadcasted_iota(jnp.int32, logit.shape, 1)
    cols = []
    for _ in range(TOPK):
        m = jnp.max(logit, axis=1, keepdims=True)
        idx = jnp.min(jnp.where(logit == m, iota, jnp.int32(2 ** 30)),
                      axis=1, keepdims=True)
        cols.append(idx)
        logit = jnp.where(iota == idx, -jnp.inf, logit)
    idx_ref[...] = jnp.concatenate(cols, axis=1)


def _route(qw, kw):
    return pl.pallas_call(
        _route_body,
        in_specs=[pl.BlockSpec(qw.shape, lambda: (0, 0, 0)),
                  pl.BlockSpec(kw.shape, lambda: (0, 0, 0))],
        out_specs=pl.BlockSpec((P2, TOPK), lambda: (0, 0)),
        out_shape=jax.ShapeDtypeStruct((P2, TOPK), jnp.int32),
    )(qw, kw)


def _attn_body(ridx_ref, q_ref, *refs):
    del ridx_ref
    kv_refs = refs[:WB * TOPK]
    o_ref = refs[WB * TOPK]
    qs = q_ref[...]
    ch_id = jax.lax.broadcasted_iota(jnp.int32, (1, D_MODEL), 1) // CH
    out_wins = []
    for w in range(WB):
        q = qs[w] * SCALE
        kv = jnp.concatenate(
            [kv_refs[w * TOPK + t][...].reshape(W2, D_MODEL) for t in range(TOPK)],
            axis=0)
        q6 = jnp.concatenate(
            [jnp.where(ch_id == h, q, 0.0) for h in range(NUM_HEADS)], axis=0)
        logit = jax.lax.dot_general(q6, kv, (((1,), (1,)), ((), ())),
                                    preferred_element_type=jnp.float32)
        e = jnp.exp(logit)
        inv = 1.0 / jnp.sum(e, axis=1, keepdims=True)
        out_all = jax.lax.dot_general(e, kv, (((1,), (0,)), ((), ())),
                                      preferred_element_type=jnp.float32) * inv
        out = out_all[0:W2]
        for h in range(1, NUM_HEADS):
            out = jnp.where(ch_id == h, out_all[h * W2:(h + 1) * W2], out)
        out_wins.append(out.reshape(1, W2, D_MODEL))
    o_ref[...] = jnp.concatenate(out_wins, axis=0)


def _qo_map(p, ridx):
    del ridx
    return (p, 0, 0)


def _kv_map(w, t, p, ridx):
    return (ridx[(WB * p + w) * TOPK + t], 0, 0)


def _attention(ridx, q_pix, kv_flat):
    grid_spec = pltpu.PrefetchScalarGridSpec(
        num_scalar_prefetch=1,
        grid=(P2 // WB,),
        in_specs=[
            pl.BlockSpec((WB, W2, D_MODEL), _qo_map),
            *[pl.BlockSpec((1, W2, D_MODEL), functools.partial(_kv_map, w, t))
              for w in range(WB) for t in range(TOPK)],
        ],
        out_specs=pl.BlockSpec((WB, W2, D_MODEL), _qo_map),
    )
    return pl.pallas_call(
        _attn_body,
        grid_spec=grid_spec,
        out_shape=jax.ShapeDtypeStruct((P2, W2, D_MODEL), jnp.float32),
    )(ridx, q_pix, kv_flat, *([kv_flat] * (WB * TOPK - 1)))


def kernel(cv_feature, mv_feature):
    n, hh, ww, c = cv_feature.shape
    v = mv_feature.shape[1]
    cv_t = jnp.transpose(cv_feature, (0, 1, 3, 2))
    mv_t = jnp.transpose(mv_feature, (0, 1, 2, 4, 3)).reshape(
        n * v, hh, c, ww)
    q_pix, qw = _relayout_pool(cv_t, N_WIN)
    kv_flat, kw = _relayout_pool(mv_t, v * N_WIN)
    ridx = _route(qw, kw).reshape(-1)
    out = _attention(ridx, q_pix, kv_flat)
    out = out.reshape(n, N_WIN, N_WIN, HW, HW, c)
    out = jnp.transpose(out, (0, 1, 3, 2, 4, 5)).reshape(n, hh, ww, c)
    return out

# --- scband reference (transcript-rebuilt; emitter-appended) ---
"""Pipeline reference for scband-mvas-41695542510270 (READ-ONLY COPY).

The authoritative reference and input builder live on the scoring server;
editing this copy changes nothing except your own understanding.
"""

import jax, jax.numpy as jnp
import numpy as np

D_MODEL = 192
N_WIN = 28
NUM_HEADS = 6
TOPK = 4


def _mvas_forward(cv, mv):
    nwin = N_WIN
    m = NUM_HEADS
    topk = TOPK
    N, H, W, C = cv.shape
    V = mv.shape[1]
    # H, W divisible by n_win (224 % 28 == 0) so auto_pad adds zero padding
    j = nwin
    i = nwin
    h = H // nwin
    w = W // nwin
    p2 = j * i
    w2 = h * w
    scale = float(C) ** (-0.5)
    # rearrange 'n (j h) (i w) c -> n (j i) h w c'
    cv_patch = cv.reshape(N, j, h, i, w, C).transpose(0, 1, 3, 2, 4, 5).reshape(N, p2, h, w, C)
    # rearrange 'n v (j h) (i w) c -> n v (j i) h w c'
    mv_patch = mv.reshape(N, V, j, h, i, w, C).transpose(0, 1, 2, 4, 3, 5, 6).reshape(N, V, p2, h, w, C)
    q_pix = cv_patch.reshape(N, p2, w2, C)
    kv_pix = mv_patch.reshape(N, V, p2, w2, C)
    q_win = cv_patch.mean(axis=(2, 3))  # (N, p2, C)
    k_win = mv_patch.mean(axis=(3, 4))  # (N, V, p2, C)
    # TopK routing (torch .detach() -> stop_gradient)
    q_hat = jax.lax.stop_gradient(q_win)
    k_hat = jax.lax.stop_gradient(k_win).reshape(N, V * p2, C)
    attn_logit = (q_hat * scale) @ jnp.swapaxes(k_hat, -2, -1)  # (N, p2, V*p2)
    topk_logit, r_idx = jax.lax.top_k(attn_logit, topk)
    r_weight = jax.nn.softmax(topk_logit, axis=-1)  # computed as in torch (unused downstream)
    # KVG gather: select topk windows from flattened (V*p2) window axis
    kv_flat = kv_pix.reshape(N, V * p2, w2, C)
    bidx = jnp.arange(N)[:, None, None]
    topk_kv = kv_flat[bidx, r_idx]  # (N, p2, topk, w2, C)
    ch = C // m
    # 'n p2 k w2 (m c) -> (n p2) m c (k w2)'
    k_sel = topk_kv.reshape(N, p2, topk, w2, m, ch).transpose(0, 1, 4, 5, 2, 3).reshape(N * p2, m, ch, topk * w2)
    # 'n p2 k w2 (m c) -> (n p2) m (k w2) c'
    v_sel = topk_kv.reshape(N, p2, topk, w2, m, ch).transpose(0, 1, 4, 2, 3, 5).reshape(N * p2, m, topk * w2, ch)
    # 'n p2 w2 (m c) -> (n p2) m w2 c'
    q = q_pix.reshape(N, p2, w2, m, ch).transpose(0, 1, 3, 2, 4).reshape(N * p2, m, w2, ch)
    attn_weight = (q * scale) @ k_sel  # (N*p2, m, w2, topk*w2)
    attn_weight = jax.nn.softmax(attn_weight, axis=-1)
    out = attn_weight @ v_sel  # (N*p2, m, w2, ch)
    # '(n j i) m (h w) c -> n (j h) (i w) (m c)'
    out = out.reshape(N, j, i, m, h, w, ch).transpose(0, 1, 4, 2, 5, 3, 6).reshape(N, j * h, i * w, m * ch)
    return out


def setup_inputs(seed: int = 0):
    key = jax.random.key(seed)
    k1, k2 = jax.random.split(key)
    cv_feature = jax.random.normal(k1, (1, 224, 224, 192), dtype=jnp.float32)
    mv_feature = jax.random.normal(k2, (1, 2, 224, 224, 192), dtype=jnp.float32)
    return {"cv_feature": cv_feature, "mv_feature": mv_feature}


def reference(cv_feature, mv_feature):
    return _mvas_forward(cv_feature, mv_feature)

if __name__ == "__main__":
    import jax
    _d = setup_inputs()
    print(jax.jit(kernel)(*tuple(_d.values())))

</pallas_src>

<mosaic_0001>
module attributes {stable_mosaic.version = 14 : i64} {
  func.func @_relayout_body(%arg0: i32, %arg1: memref<1x8x192x224xf32, #tpu.memory_space<vmem>>, %arg2: memref<28x64x192xf32, #tpu.memory_space<vmem>>, %arg3: memref<1x28x192xf32, #tpu.memory_space<vmem>>) attributes {dimension_semantics = [#tpu.dimension_semantics<arbitrary>], iteration_bounds = array<i64: 28>, scalar_prefetch = 0 : i64, scratch_operands = 0 : i64, tpu.core_type = #tpu.core_type<tc>, window_params = [{transform_indices = @transform_0, window_bounds = array<i64: 1, 8, 192, 224>}, {transform_indices = @transform_1, window_bounds = array<i64: 28, 64, 192>}, {transform_indices = @transform_2, window_bounds = array<i64: 1, 28, 192>}]} {
    %get3A = arith.constant 0 : index
    %get3A_0 = arith.constant 0 : index
    %get3A_1 = arith.constant 0 : index
    %get3A_2 = arith.constant 0 : index
    %get3A_3 = vector.load %arg1[%get3A, %get3A_0, %get3A_1, %get3A_2] : memref<1x8x192x224xf32, #tpu.memory_space<vmem>>, vector<1x8x192x224xf32>
    %reshape3A = vector.shape_cast %get3A_3 : vector<1x8x192x224xf32> to vector<8x192x224xf32>
    %transpose3A = tpu.transpose %reshape3A, [0, 2, 1] : vector<8x192x224xf32> -> vector<8x224x192xf32>
    %reshape3A_4 = vector.shape_cast %transpose3A : vector<8x224x192xf32> to vector<8x28x8x192xf32>
    %transpose3A_5 = tpu.transpose %reshape3A_4, [1, 0, 2, 3] : vector<8x28x8x192xf32> -> vector<28x8x8x192xf32>
    %reshape3A_6 = vector.shape_cast %transpose3A_5 : vector<28x8x8x192xf32> to vector<28x64x192xf32>
    %swap3A = arith.constant 0 : index
    %swap3A_7 = arith.constant 0 : index
    %swap3A_8 = arith.constant 0 : index
    %swap3A_9 = vector.load %arg2[%swap3A, %swap3A_7, %swap3A_8] : memref<28x64x192xf32, #tpu.memory_space<vmem>>, vector<28x64x192xf32>
    tpu.vector_store %arg2[%swap3A, %swap3A_7, %swap3A_8], %reshape3A_6 {strides = array<i32>} : memref<28x64x192xf32, #tpu.memory_space<vmem>>, vector<28x64x192xf32>,
    %reduce_sum3A = arith.constant dense<0.000000e+00> : vector<28x192xf32>
    %reduce_sum3A_10 = vector.multi_reduction <add>, %reshape3A_6, %reduce_sum3A [1] : vector<28x64x192xf32> to vector<28x192xf32>
    %broadcast_in_dim3A = vector.shape_cast %reduce_sum3A_10 : vector<28x192xf32> to vector<28x1x192xf32>
    %mul3A = arith.constant 1.562500e-02 : f32
    %mul3A_11 = vector.broadcast %mul3A : f32 to vector<28x1x192xf32>
    %mul3A_12 = arith.mulf %broadcast_in_dim3A, %mul3A_11 : vector<28x1x192xf32>
    %reshape3A_13 = vector.shape_cast %mul3A_12 : vector<28x1x192xf32> to vector<1x28x192xf32>
    %swap3A_14 = arith.constant 0 : index
    %swap3A_15 = arith.constant 0 : index
    %swap3A_16 = arith.constant 0 : index
    %swap3A_17 = vector.load %arg3[%swap3A_14, %swap3A_15, %swap3A_16] : memref<1x28x192xf32, #tpu.memory_space<vmem>>, vector<1x28x192xf32>
    tpu.vector_store %arg3[%swap3A_14, %swap3A_15, %swap3A_16], %reshape3A_13 {strides = array<i32>} : memref<1x28x192xf32, #tpu.memory_space<vmem>>, vector<1x28x192xf32>,
    return
  }
  func.func @transform_0(%arg0: i32) -> (i32, i32, i32, i32) {
    %jit3A = arith.constant 28 : i32
    %div3A = arith.divsi %arg0, %jit3A : i32
    %sign3A = arith.constant 0 : i32
    %sign3A_0 = arith.cmpi sgt, %arg0, %sign3A : i32
    %sign3A_1 = arith.extui %sign3A_0 : i1 to i32
    %sign3A_2 = arith.constant 0 : i32
    %sign3A_3 = arith.cmpi slt, %arg0, %sign3A_2 : i32
    %sign3A_4 = arith.extui %sign3A_3 : i1 to i32
    %sign3A_5 = arith.subi %sign3A_1, %sign3A_4 : i32
    %sign3A_6 = arith.constant 0 : i32
    %sign3A_7 = arith.cmpi sgt, %jit3A, %sign3A_6 : i32
    %sign3A_8 = arith.extui %sign3A_7 : i1 to i32
    %sign3A_9 = arith.constant 0 : i32
    %sign3A_10 = arith.cmpi slt, %jit3A, %sign3A_9 : i32
    %sign3A_11 = arith.extui %sign3A_10 : i1 to i32
    %sign3A_12 = arith.subi %sign3A_8, %sign3A_11 : i32
    %ne3A = arith.cmpi ne, %sign3A_5, %sign3A_12 : i32
    %rem3A = arith.remsi %arg0, %jit3A : i32
    %ne3A_13 = arith.constant 0 : i32
    %ne3A_14 = arith.cmpi ne, %rem3A, %ne3A_13 : i32
    %and3A = arith.andi %ne3A, %ne3A_14 : i1
    %sub3A = arith.constant 1 : i32
    %sub3A_15 = arith.subi %div3A, %sub3A : i32
    %select_n3A = arith.select %and3A, %sub3A_15, %div3A : i32
    %jit3A_16 = arith.constant 28 : i32
    %eq3A = arith.constant 0 : i32
    %eq3A_17 = arith.cmpi eq, %jit3A_16, %eq3A : i32
    %jit3A_18 = arith.constant 1 : i32
    %select_n3A_19 = arith.select %eq3A_17, %jit3A_18, %jit3A_16 : i32
    %rem3A_20 = arith.remsi %arg0, %select_n3A_19 : i32
    %ne3A_21 = arith.constant 0 : i32
    %ne3A_22 = arith.cmpi ne, %rem3A_20, %ne3A_21 : i32
    %lt3A = arith.constant 0 : i32
    %lt3A_23 = arith.cmpi slt, %rem3A_20, %lt3A : i32
    %lt3A_24 = arith.constant 0 : i32
    %lt3A_25 = arith.cmpi slt, %select_n3A_19, %lt3A_24 : i32
    %ne3A_26 = arith.xori %lt3A_23, %lt3A_25 : i1
    %and3A_27 = arith.andi %ne3A_26, %ne3A_22 : i1
    %add3A = arith.addi %rem3A_20, %select_n3A_19 : i32
    %select_n3A_28 = arith.select %and3A_27, %add3A, %rem3A_20 : i32
    %c0_i32 = arith.constant 0 : i32
    %c0_i32_29 = arith.constant 0 : i32
    %c0_i32_30 = arith.constant 0 : i32
    return %select_n3A, %select_n3A_28, %c0_i32, %c0_i32_29 : i32, i32, i32, i32
  }
  func.func @transform_1(%arg0: i32) -> (i32, i32, i32) {
    %c0_i32 = arith.constant 0 : i32
    %c0_i32_0 = arith.constant 0 : i32
    %c0_i32_1 = arith.constant 0 : i32
    return %arg0, %c0_i32, %c0_i32_0 : i32, i32, i32
  }
  func.func @transform_2(%arg0: i32) -> (i32, i32, i32) {
    %c0_i32 = arith.constant 0 : i32
    %c0_i32_0 = arith.constant 0 : i32
    %c0_i32_1 = arith.constant 0 : i32
    return %arg0, %c0_i32, %c0_i32_0 : i32, i32, i32
  }
}

module attributes {stable_mosaic.version = 14 : i64} {
  func.func @_route_body(%arg0: memref<28x28x192xf32, #tpu.memory_space<vmem>>, %arg1: memref<56x28x192xf32, #tpu.memory_space<vmem>>, %arg2: memref<784x4xi32, #tpu.memory_space<vmem>>) attributes {dimension_semantics = [], scalar_prefetch = 0 : i64, scratch_operands = 0 : i64, tpu.core_type = #tpu.core_type<tc>} {
    %get3A = arith.constant 0 : index
    %get3A_0 = arith.constant 0 : index
    %get3A_1 = arith.constant 0 : index
    %get3A_2 = vector.load %arg0[%get3A, %get3A_0, %get3A_1] : memref<28x28x192xf32, #tpu.memory_space<vmem>>, vector<28x28x192xf32>
    %reshape3A = vector.shape_cast %get3A_2 : vector<28x28x192xf32> to vector<784x192xf32>
    %mul3A = arith.constant 0.0721687824 : f32
    %mul3A_3 = vector.broadcast %mul3A : f32 to vector<784x192xf32>
    %mul3A_4 = arith.mulf %reshape3A, %mul3A_3 : vector<784x192xf32>
    %get3A_5 = arith.constant 0 : index
    %get3A_6 = arith.constant 0 : index
    %get3A_7 = arith.constant 0 : index
    %get3A_8 = vector.load %arg1[%get3A_5, %get3A_6, %get3A_7] : memref<56x28x192xf32, #tpu.memory_space<vmem>>, vector<56x28x192xf32>
    %reshape3A_9 = vector.shape_cast %get3A_8 : vector<56x28x192xf32> to vector<1568x192xf32>
    %dot_general3A = arith.constant dense<0.000000e+00> : vector<784x1568xf32>
    %dot_general3A_10 = tpu.matmul %mul3A_4, %reshape3A_9, %dot_general3A {dimension_numbers = #tpu.dot_dimension_numbers<[1], [1], [0], [0], [0, 0, 1, 0], [], []>, transpose_lhs_hint = false} : vector<784x192xf32>, vector<1568x192xf32>, vector<784x1568xf32> -> vector<784x1568xf32>
    %iota3A = tpu.iota {dimensions = array<i32: 1>} : vector<784x1568xi32>
    %reduce_max3A = arith.constant dense<0xFF800000> : vector<784xf32>
    %reduce_max3A_11 = vector.multi_reduction <maximumf>, %dot_general3A_10, %reduce_max3A [1] : vector<784x1568xf32> to vector<784xf32>
    %broadcast_in_dim3A = vector.shape_cast %reduce_max3A_11 : vector<784xf32> to vector<784x1xf32>
    %eq3A = vector.broadcast %broadcast_in_dim3A : vector<784x1xf32> to vector<784x1568xf32>
    %eq3A_12 = arith.cmpf oeq, %dot_general3A_10, %eq3A : vector<784x1568xf32>
    %jit3A = arith.constant 1073741824 : i32
    %broadcast_in_dim3A_13 = vector.broadcast %jit3A : i32 to vector<784x1568xi32>
    %select_n3A = arith.select %eq3A_12, %iota3A, %broadcast_in_dim3A_13 : vector<784x1568xi1>, vector<784x1568xi32>
    %reduce_min3A = arith.constant dense<2147483647> : vector<784xi32>
    %reduce_min3A_14 = vector.multi_reduction <minsi>, %select_n3A, %reduce_min3A [1] : vector<784x1568xi32> to vector<784xi32>
    %broadcast_in_dim3A_15 = vector.shape_cast %reduce_min3A_14 : vector<784xi32> to vector<784x1xi32>
    %eq3A_16 = vector.broadcast %broadcast_in_dim3A_15 : vector<784x1xi32> to vector<784x1568xi32>
    %eq3A_17 = arith.cmpi eq, %iota3A, %eq3A_16 : vector<784x1568xi32>
    %jit3A_18 = arith.constant 0xFF800000 : f32
    %broadcast_in_dim3A_19 = vector.broadcast %jit3A_18 : f32 to vector<784x1568xf32>
    %select_n3A_20 = arith.select %eq3A_17, %broadcast_in_dim3A_19, %dot_general3A_10 : vector<784x1568xi1>, vector<784x1568xf32>
    %reduce_max3A_21 = arith.constant dense<0xFF800000> : vector<784xf32>
    %reduce_max3A_22 = vector.multi_reduction <maximumf>, %select_n3A_20, %reduce_max3A_21 [1] : vector<784x1568xf32> to vector<784xf32>
    %broadcast_in_dim3A_23 = vector.shape_cast %reduce_max3A_22 : vector<784xf32> to vector<784x1xf32>
    %eq3A_24 = vector.broadcast %broadcast_in_dim3A_23 : vector<784x1xf32> to vector<784x1568xf32>
    %eq3A_25 = arith.cmpf oeq, %select_n3A_20, %eq3A_24 : vector<784x1568xf32>
    %jit3A_26 = arith.constant 1073741824 : i32
    %broadcast_in_dim3A_27 = vector.broadcast %jit3A_26 : i32 to vector<784x1568xi32>
    %select_n3A_28 = arith.select %eq3A_25, %iota3A, %broadcast_in_dim3A_27 : vector<784x1568xi1>, vector<784x1568xi32>
    %reduce_min3A_29 = arith.constant dense<2147483647> : vector<784xi32>
    %reduce_min3A_30 = vector.multi_reduction <minsi>, %select_n3A_28, %reduce_min3A_29 [1] : vector<784x1568xi32> to vector<784xi32>
    %broadcast_in_dim3A_31 = vector.shape_cast %reduce_min3A_30 : vector<784xi32> to vector<784x1xi32>
    %eq3A_32 = vector.broadcast %broadcast_in_dim3A_31 : vector<784x1xi32> to vector<784x1568xi32>
    %eq3A_33 = arith.cmpi eq, %iota3A, %eq3A_32 : vector<784x1568xi32>
    %jit3A_34 = arith.constant 0xFF800000 : f32
    %broadcast_in_dim3A_35 = vector.broadcast %jit3A_34 : f32 to vector<784x1568xf32>
    %select_n3A_36 = arith.select %eq3A_33, %broadcast_in_dim3A_35, %select_n3A_20 : vector<784x1568xi1>, vector<784x1568xf32>
    %reduce_max3A_37 = arith.constant dense<0xFF800000> : vector<784xf32>
    %reduce_max3A_38 = vector.multi_reduction <maximumf>, %select_n3A_36, %reduce_max3A_37 [1] : vector<784x1568xf32> to vector<784xf32>
    %broadcast_in_dim3A_39 = vector.shape_cast %reduce_max3A_38 : vector<784xf32> to vector<784x1xf32>
    %eq3A_40 = vector.broadcast %broadcast_in_dim3A_39 : vector<784x1xf32> to vector<784x1568xf32>
    %eq3A_41 = arith.cmpf oeq, %select_n3A_36, %eq3A_40 : vector<784x1568xf32>
    %jit3A_42 = arith.constant 1073741824 : i32
    %broadcast_in_dim3A_43 = vector.broadcast %jit3A_42 : i32 to vector<784x1568xi32>
    %select_n3A_44 = arith.select %eq3A_41, %iota3A, %broadcast_in_dim3A_43 : vector<784x1568xi1>, vector<784x1568xi32>
    %reduce_min3A_45 = arith.constant dense<2147483647> : vector<784xi32>
    %reduce_min3A_46 = vector.multi_reduction <minsi>, %select_n3A_44, %reduce_min3A_45 [1] : vector<784x1568xi32> to vector<784xi32>
    %broadcast_in_dim3A_47 = vector.shape_cast %reduce_min3A_46 : vector<784xi32> to vector<784x1xi32>
    %eq3A_48 = vector.broadcast %broadcast_in_dim3A_47 : vector<784x1xi32> to vector<784x1568xi32>
    %eq3A_49 = arith.cmpi eq, %iota3A, %eq3A_48 : vector<784x1568xi32>
    %jit3A_50 = arith.constant 0xFF800000 : f32
    %broadcast_in_dim3A_51 = vector.broadcast %jit3A_50 : f32 to vector<784x1568xf32>
    %select_n3A_52 = arith.select %eq3A_49, %broadcast_in_dim3A_51, %select_n3A_36 : vector<784x1568xi1>, vector<784x1568xf32>
    %reduce_max3A_53 = arith.constant dense<0xFF800000> : vector<784xf32>
    %reduce_max3A_54 = vector.multi_reduction <maximumf>, %select_n3A_52, %reduce_max3A_53 [1] : vector<784x1568xf32> to vector<784xf32>
    %broadcast_in_dim3A_55 = vector.shape_cast %reduce_max3A_54 : vector<784xf32> to vector<784x1xf32>
    %eq3A_56 = vector.broadcast %broadcast_in_dim3A_55 : vector<784x1xf32> to vector<784x1568xf32>
    %eq3A_57 = arith.cmpf oeq, %select_n3A_52, %eq3A_56 : vector<784x1568xf32>
    %jit3A_58 = arith.constant 1073741824 : i32
    %broadcast_in_dim3A_59 = vector.broadcast %jit3A_58 : i32 to vector<784x1568xi32>
    %select_n3A_60 = arith.select %eq3A_57, %iota3A, %broadcast_in_dim3A_59 : vector<784x1568xi1>, vector<784x1568xi32>
    %reduce_min3A_61 = arith.constant dense<2147483647> : vector<784xi32>
    %reduce_min3A_62 = vector.multi_reduction <minsi>, %select_n3A_60, %reduce_min3A_61 [1] : vector<784x1568xi32> to vector<784xi32>
    %broadcast_in_dim3A_63 = vector.shape_cast %reduce_min3A_62 : vector<784xi32> to vector<784x1xi32>
    %concatenate3A = tpu.concatenate %broadcast_in_dim3A_15, %broadcast_in_dim3A_31, %broadcast_in_dim3A_47, %broadcast_in_dim3A_63 in 1 : vector<784x1xi32>, vector<784x1xi32>, vector<784x1xi32>, vector<784x1xi32> -> vector<784x4xi32>
    %swap3A = arith.constant 0 : index
    %swap3A_64 = arith.constant 0 : index
    %swap3A_65 = vector.load %arg2[%swap3A, %swap3A_64] : memref<784x4xi32, #tpu.memory_space<vmem>>, vector<784x4xi32>
    tpu.vector_store %arg2[%swap3A, %swap3A_64], %concatenate3A {strides = array<i32>} : memref<784x4xi32, #tpu.memory_space<vmem>>, vector<784x4xi32>,
    return
  }
}

module attributes {stable_mosaic.version = 14 : i64} {
  func.func @_relayout_body(%arg0: i32, %arg1: memref<1x8x192x224xf32, #tpu.memory_space<vmem>>, %arg2: memref<28x64x192xf32, #tpu.memory_space<vmem>>, %arg3: memref<1x28x192xf32, #tpu.memory_space<vmem>>) attributes {dimension_semantics = [#tpu.dimension_semantics<arbitrary>], iteration_bounds = array<i64: 56>, scalar_prefetch = 0 : i64, scratch_operands = 0 : i64, tpu.core_type = #tpu.core_type<tc>, window_params = [{transform_indices = @transform_0, window_bounds = array<i64: 1, 8, 192, 224>}, {transform_indices = @transform_1, window_bounds = array<i64: 28, 64, 192>}, {transform_indices = @transform_2, window_bounds = array<i64: 1, 28, 192>}]} {
    %get3A = arith.constant 0 : index
    %get3A_0 = arith.constant 0 : index
    %get3A_1 = arith.constant 0 : index
    %get3A_2 = arith.constant 0 : index
    %get3A_3 = vector.load %arg1[%get3A, %get3A_0, %get3A_1, %get3A_2] : memref<1x8x192x224xf32, #tpu.memory_space<vmem>>, vector<1x8x192x224xf32>
    %reshape3A = vector.shape_cast %get3A_3 : vector<1x8x192x224xf32> to vector<8x192x224xf32>
    %transpose3A = tpu.transpose %reshape3A, [0, 2, 1] : vector<8x192x224xf32> -> vector<8x224x192xf32>
    %reshape3A_4 = vector.shape_cast %transpose3A : vector<8x224x192xf32> to vector<8x28x8x192xf32>
    %transpose3A_5 = tpu.transpose %reshape3A_4, [1, 0, 2, 3] : vector<8x28x8x192xf32> -> vector<28x8x8x192xf32>
    %reshape3A_6 = vector.shape_cast %transpose3A_5 : vector<28x8x8x192xf32> to vector<28x64x192xf32>
    %swap3A = arith.constant 0 : index
    %swap3A_7 = arith.constant 0 : index
    %swap3A_8 = arith.constant 0 : index
    %swap3A_9 = vector.load %arg2[%swap3A, %swap3A_7, %swap3A_8] : memref<28x64x192xf32, #tpu.memory_space<vmem>>, vector<28x64x192xf32>
    tpu.vector_store %arg2[%swap3A, %swap3A_7, %swap3A_8], %reshape3A_6 {strides = array<i32>} : memref<28x64x192xf32, #tpu.memory_space<vmem>>, vector<28x64x192xf32>,
    %reduce_sum3A = arith.constant dense<0.000000e+00> : vector<28x192xf32>
    %reduce_sum3A_10 = vector.multi_reduction <add>, %reshape3A_6, %reduce_sum3A [1] : vector<28x64x192xf32> to vector<28x192xf32>
    %broadcast_in_dim3A = vector.shape_cast %reduce_sum3A_10 : vector<28x192xf32> to vector<28x1x192xf32>
    %mul3A = arith.constant 1.562500e-02 : f32
    %mul3A_11 = vector.broadcast %mul3A : f32 to vector<28x1x192xf32>
    %mul3A_12 = arith.mulf %broadcast_in_dim3A, %mul3A_11 : vector<28x1x192xf32>
    %reshape3A_13 = vector.shape_cast %mul3A_12 : vector<28x1x192xf32> to vector<1x28x192xf32>
    %swap3A_14 = arith.constant 0 : index
    %swap3A_15 = arith.constant 0 : index
    %swap3A_16 = arith.constant 0 : index
    %swap3A_17 = vector.load %arg3[%swap3A_14, %swap3A_15, %swap3A_16] : memref<1x28x192xf32, #tpu.memory_space<vmem>>, vector<1x28x192xf32>
    tpu.vector_store %arg3[%swap3A_14, %swap3A_15, %swap3A_16], %reshape3A_13 {strides = array<i32>} : memref<1x28x192xf32, #tpu.memory_space<vmem>>, vector<1x28x192xf32>,
    return
  }
  func.func @transform_0(%arg0: i32) -> (i32, i32, i32, i32) {
    %jit3A = arith.constant 28 : i32
    %div3A = arith.divsi %arg0, %jit3A : i32
    %sign3A = arith.constant 0 : i32
    %sign3A_0 = arith.cmpi sgt, %arg0, %sign3A : i32
    %sign3A_1 = arith.extui %sign3A_0 : i1 to i32
    %sign3A_2 = arith.constant 0 : i32
    %sign3A_3 = arith.cmpi slt, %arg0, %sign3A_2 : i32
    %sign3A_4 = arith.extui %sign3A_3 : i1 to i32
    %sign3A_5 = arith.subi %sign3A_1, %sign3A_4 : i32
    %sign3A_6 = arith.constant 0 : i32
    %sign3A_7 = arith.cmpi sgt, %jit3A, %sign3A_6 : i32
    %sign3A_8 = arith.extui %sign3A_7 : i1 to i32
    %sign3A_9 = arith.constant 0 : i32
    %sign3A_10 = arith.cmpi slt, %jit3A, %sign3A_9 : i32
    %sign3A_11 = arith.extui %sign3A_10 : i1 to i32
    %sign3A_12 = arith.subi %sign3A_8, %sign3A_11 : i32
    %ne3A = arith.cmpi ne, %sign3A_5, %sign3A_12 : i32
    %rem3A = arith.remsi %arg0, %jit3A : i32
    %ne3A_13 = arith.constant 0 : i32
    %ne3A_14 = arith.cmpi ne, %rem3A, %ne3A_13 : i32
    %and3A = arith.andi %ne3A, %ne3A_14 : i1
    %sub3A = arith.constant 1 : i32
    %sub3A_15 = arith.subi %div3A, %sub3A : i32
    %select_n3A = arith.select %and3A, %sub3A_15, %div3A : i32
    %jit3A_16 = arith.constant 28 : i32
    %eq3A = arith.constant 0 : i32
    %eq3A_17 = arith.cmpi eq, %jit3A_16, %eq3A : i32
    %jit3A_18 = arith.constant 1 : i32
    %select_n3A_19 = arith.select %eq3A_17, %jit3A_18, %jit3A_16 : i32
    %rem3A_20 = arith.remsi %arg0, %select_n3A_19 : i32
    %ne3A_21 = arith.constant 0 : i32
    %ne3A_22 = arith.cmpi ne, %rem3A_20, %ne3A_21 : i32
    %lt3A = arith.constant 0 : i32
    %lt3A_23 = arith.cmpi slt, %rem3A_20, %lt3A : i32
    %lt3A_24 = arith.constant 0 : i32
    %lt3A_25 = arith.cmpi slt, %select_n3A_19, %lt3A_24 : i32
    %ne3A_26 = arith.xori %lt3A_23, %lt3A_25 : i1
    %and3A_27 = arith.andi %ne3A_26, %ne3A_22 : i1
    %add3A = arith.addi %rem3A_20, %select_n3A_19 : i32
    %select_n3A_28 = arith.select %and3A_27, %add3A, %rem3A_20 : i32
    %c0_i32 = arith.constant 0 : i32
    %c0_i32_29 = arith.constant 0 : i32
    %c0_i32_30 = arith.constant 0 : i32
    return %select_n3A, %select_n3A_28, %c0_i32, %c0_i32_29 : i32, i32, i32, i32
  }
  func.func @transform_1(%arg0: i32) -> (i32, i32, i32) {
    %c0_i32 = arith.constant 0 : i32
    %c0_i32_0 = arith.constant 0 : i32
    %c0_i32_1 = arith.constant 0 : i32
    return %arg0, %c0_i32, %c0_i32_0 : i32, i32, i32
  }
  func.func @transform_2(%arg0: i32) -> (i32, i32, i32) {
    %c0_i32 = arith.constant 0 : i32
    %c0_i32_0 = arith.constant 0 : i32
    %c0_i32_1 = arith.constant 0 : i32
    return %arg0, %c0_i32, %c0_i32_0 : i32, i32, i32
  }
}

module attributes {stable_mosaic.version = 14 : i64} {
  func.func @_attn_body(%arg0: i32, %arg1: memref<3136xi32, #tpu.memory_space<smem>>, %arg2: memref<7x64x192xf32, #tpu.memory_space<vmem>>, %arg3: memref<1x64x192xf32, #tpu.memory_space<vmem>>, %arg4: memref<1x64x192xf32, #tpu.memory_space<vmem>>, %arg5: memref<1x64x192xf32, #tpu.memory_space<vmem>>, %arg6: memref<1x64x192xf32, #tpu.memory_space<vmem>>, %arg7: memref<1x64x192xf32, #tpu.memory_space<vmem>>, %arg8: memref<1x64x192xf32, #tpu.memory_space<vmem>>, %arg9: memref<1x64x192xf32, #tpu.memory_space<vmem>>, %arg10: memref<1x64x192xf32, #tpu.memory_space<vmem>>, %arg11: memref<1x64x192xf32, #tpu.memory_space<vmem>>, %arg12: memref<1x64x192xf32, #tpu.memory_space<vmem>>, %arg13: memref<1x64x192xf32, #tpu.memory_space<vmem>>, %arg14: memref<1x64x192xf32, #tpu.memory_space<vmem>>, %arg15: memref<1x64x192xf32, #tpu.memory_space<vmem>>, %arg16: memref<1x64x192xf32, #tpu.memory_space<vmem>>, %arg17: memref<1x64x192xf32, #tpu.memory_space<vmem>>, %arg18: memref<1x64x192xf32, #tpu.memory_space<vmem>>, %arg19: memref<1x64x192xf32, #tpu.memory_space<vmem>>, %arg20: memref<1x64x192xf32, #tpu.memory_space<vmem>>, %arg21: memref<1x64x192xf32, #tpu.memory_space<vmem>>, %arg22: memref<1x64x192xf32, #tpu.memory_space<vmem>>, %arg23: memref<1x64x192xf32, #tpu.memory_space<vmem>>, %arg24: memref<1x64x192xf32, #tpu.memory_space<vmem>>, %arg25: memref<1x64x192xf32, #tpu.memory_space<vmem>>, %arg26: memref<1x64x192xf32, #tpu.memory_space<vmem>>, %arg27: memref<1x64x192xf32, #tpu.memory_space<vmem>>, %arg28: memref<1x64x192xf32, #tpu.memory_space<vmem>>, %arg29: memref<1x64x192xf32, #tpu.memory_space<vmem>>, %arg30: memref<1x64x192xf32, #tpu.memory_space<vmem>>, %arg31: memref<7x64x192xf32, #tpu.memory_space<vmem>>) attributes {dimension_semantics = [#tpu.dimension_semantics<arbitrary>], iteration_bounds = array<i64: 112>, scalar_prefetch = 1 : i64, scratch_operands = 0 : i64, tpu.core_type = #tpu.core_type<tc>, window_params = [{transform_indices = @transform_0, window_bounds = array<i64: 7, 64, 192>}, {transform_indices = @transform_1, window_bounds = array<i64: 1, 64, 192>}, {transform_indices = @transform_2, window_bounds = array<i64: 1, 64, 192>}, {transform_indices = @transform_3, window_bounds = array<i64: 1, 64, 192>}, {transform_indices = @transform_4, window_bounds = array<i64: 1, 64, 192>}, {transform_indices = @transform_5, window_bounds = array<i64: 1, 64, 192>}, {transform_indices = @transform_6, window_bounds = array<i64: 1, 64, 192>}, {transform_indices = @transform_7, window_bounds = array<i64: 1, 64, 192>}, {transform_indices = @transform_8, window_bounds = array<i64: 1, 64, 192>}, {transform_indices = @transform_9, window_bounds = array<i64: 1, 64, 192>}, {transform_indices = @transform_10, window_bounds = array<i64: 1, 64, 192>}, {transform_indices = @transform_11, window_bounds = array<i64: 1, 64, 192>}, {transform_indices = @transform_12, window_bounds = array<i64: 1, 64, 192>}, {transform_indices = @transform_13, window_bounds = array<i64: 1, 64, 192>}, {transform_indices = @transform_14, window_bounds = array<i64: 1, 64, 192>}, {transform_indices = @transform_15, window_bounds = array<i64: 1, 64, 192>}, {transform_indices = @transform_16, window_bounds = array<i64: 1, 64, 192>}, {transform_indices = @transform_17, window_bounds = array<i64: 1, 64, 192>}, {transform_indices = @transform_18, window_bounds = array<i64: 1, 64, 192>}, {transform_indices = @transform_19, window_bounds = array<i64: 1, 64, 192>}, {transform_indices = @transform_20, window_bounds = array<i64: 1, 64, 192>}, {transform_indices = @transform_21, window_bounds = array<i64: 1, 64, 192>}, {transform_indices = @transform_22, window_bounds = array<i64: 1, 64, 192>}, {transform_indices = @transform_23, window_bounds = array<i64: 1, 64, 192>}, {transform_indices = @transform_24, window_bounds = array<i64: 1, 64, 192>}, {transform_indices = @transform_25, window_bounds = array<i64: 1, 64, 192>}, {transform_indices = @transform_26, window_bounds = array<i64: 1, 64, 192>}, {transform_indices = @transform_27, window_bounds = array<i64: 1, 64, 192>}, {transform_indices = @transform_28, window_bounds = array<i64: 1, 64, 192>}, {transform_indices = @transform_29, window_bounds = array<i64: 7, 64, 192>}]} {
    %get3A = arith.constant 0 : index
    %get3A_0 = arith.constant 0 : index
    %get3A_1 = arith.constant 0 : index
    %get3A_2 = vector.load %arg2[%get3A, %get3A_0, %get3A_1] : memref<7x64x192xf32, #tpu.memory_space<vmem>>, vector<7x64x192xf32>
    %iota3A = tpu.iota {dimensions = array<i32: 1>} : vector<1x192xi32>
    %jit3A = arith.constant 32 : i32
    %div3A = vector.broadcast %jit3A : i32 to vector<1x192xi32>
    %div3A_3 = arith.divsi %iota3A, %div3A : vector<1x192xi32>
    %sign3A = arith.constant 0 : i32
    %sign3A_4 = vector.broadcast %sign3A : i32 to vector<1x192xi32>
    %sign3A_5 = arith.cmpi sgt, %iota3A, %sign3A_4 : vector<1x192xi32>
    %sign3A_6 = arith.extui %sign3A_5 : vector<1x192xi1> to vector<1x192xi32>
    %sign3A_7 = arith.constant 0 : i32
    %sign3A_8 = vector.broadcast %sign3A_7 : i32 to vector<1x192xi32>
    %sign3A_9 = arith.cmpi slt, %iota3A, %sign3A_8 : vector<1x192xi32>
    %sign3A_10 = arith.extui %sign3A_9 : vector<1x192xi1> to vector<1x192xi32>
    %sign3A_11 = arith.subi %sign3A_6, %sign3A_10 : vector<1x192xi32>
    %sign3A_12 = arith.constant 0 : i32
    %sign3A_13 = arith.cmpi sgt, %jit3A, %sign3A_12 : i32
    %sign3A_14 = arith.extui %sign3A_13 : i1 to i32
    %sign3A_15 = arith.constant 0 : i32
    %sign3A_16 = arith.cmpi slt, %jit3A, %sign3A_15 : i32
    %sign3A_17 = arith.extui %sign3A_16 : i1 to i32
    %sign3A_18 = arith.subi %sign3A_14, %sign3A_17 : i32
    %ne3A = vector.broadcast %sign3A_18 : i32 to vector<1x192xi32>
    %ne3A_19 = arith.cmpi ne, %sign3A_11, %ne3A : vector<1x192xi32>
    %rem3A = vector.broadcast %jit3A : i32 to vector<1x192xi32>
    %rem3A_20 = arith.remsi %iota3A, %rem3A : vector<1x192xi32>
    %ne3A_21 = arith.constant 0 : i32
    %ne3A_22 = vector.broadcast %ne3A_21 : i32 to vector<1x192xi32>
    %ne3A_23 = arith.cmpi ne, %rem3A_20, %ne3A_22 : vector<1x192xi32>
    %and3A = arith.andi %ne3A_19, %ne3A_23 : vector<1x192xi1>
    %sub3A = arith.constant 1 : i32
    %sub3A_24 = vector.broadcast %sub3A : i32 to vector<1x192xi32>
    %sub3A_25 = arith.subi %div3A_3, %sub3A_24 : vector<1x192xi32>
    %select_n3A = arith.select %and3A, %sub3A_25, %div3A_3 : vector<1x192xi1>, vector<1x192xi32>
    %slice3A = vector.extract_strided_slice %get3A_2 {offsets = [0, 0, 0], sizes = [1, 64, 192], strides = [1, 1, 1]} : vector<7x64x192xf32> to vector<1x64x192xf32>
    %squeeze3A = vector.shape_cast %slice3A : vector<1x64x192xf32> to vector<64x192xf32>
    %mul3A = arith.constant 0.0721687824 : f32
    %mul3A_26 = vector.broadcast %mul3A : f32 to vector<64x192xf32>
    %mul3A_27 = arith.mulf %squeeze3A, %mul3A_26 : vector<64x192xf32>
    %get3A_28 = arith.constant 0 : index
    %get3A_29 = arith.constant 0 : index
    %get3A_30 = arith.constant 0 : index
    %get3A_31 = vector.load %arg3[%get3A_28, %get3A_29, %get3A_30] : memref<1x64x192xf32, #tpu.memory_space<vmem>>, vector<1x64x192xf32>
    %reshape3A = vector.shape_cast %get3A_31 : vector<1x64x192xf32> to vector<64x192xf32>
    %get3A_32 = arith.constant 0 : index
    %get3A_33 = arith.constant 0 : index
    %get3A_34 = arith.constant 0 : index
    %get3A_35 = vector.load %arg4[%get3A_32, %get3A_33, %get3A_34] : memref<1x64x192xf32, #tpu.memory_space<vmem>>, vector<1x64x192xf32>
    %reshape3A_36 = vector.shape_cast %get3A_35 : vector<1x64x192xf32> to vector<64x192xf32>
    %get3A_37 = arith.constant 0 : index
    %get3A_38 = arith.constant 0 : index
    %get3A_39 = arith.constant 0 : index
    %get3A_40 = vector.load %arg5[%get3A_37, %get3A_38, %get3A_39] : memref<1x64x192xf32, #tpu.memory_space<vmem>>, vector<1x64x192xf32>
    %reshape3A_41 = vector.shape_cast %get3A_40 : vector<1x64x192xf32> to vector<64x192xf32>
    %get3A_42 = arith.constant 0 : index
    %get3A_43 = arith.constant 0 : index
    %get3A_44 = arith.constant 0 : index
    %get3A_45 = vector.load %arg6[%get3A_42, %get3A_43, %get3A_44] : memref<1x64x192xf32, #tpu.memory_space<vmem>>, vector<1x64x192xf32>
    %reshape3A_46 = vector.shape_cast %get3A_45 : vector<1x64x192xf32> to vector<64x192xf32>
    %concatenate3A = tpu.concatenate %reshape3A, %reshape3A_36, %reshape3A_41, %reshape3A_46 in 0 : vector<64x192xf32>, vector<64x192xf32>, vector<64x192xf32>, vector<64x192xf32> -> vector<256x192xf32>
    %eq3A = arith.constant 0 : i32
    %eq3A_47 = vector.broadcast %eq3A : i32 to vector<1x192xi32>
    %eq3A_48 = arith.cmpi eq, %select_n3A, %eq3A_47 : vector<1x192xi32>
    %jit3A_49 = arith.constant 0.000000e+00 : f32
    %broadcast_in_dim3A = vector.shape_cast %eq3A_48 : vector<1x192xi1> to vector<1x192xi1>
    %broadcast_in_dim3A_50 = vector.broadcast %broadcast_in_dim3A : vector<1x192xi1> to vector<64x192xi1>
    %broadcast_in_dim3A_51 = vector.broadcast %jit3A_49 : f32 to vector<64x192xf32>
    %select_n3A_52 = arith.select %broadcast_in_dim3A_50, %mul3A_27, %broadcast_in_dim3A_51 : vector<64x192xi1>, vector<64x192xf32>
    %eq3A_53 = arith.constant 1 : i32
    %eq3A_54 = vector.broadcast %eq3A_53 : i32 to vector<1x192xi32>
    %eq3A_55 = arith.cmpi eq, %select_n3A, %eq3A_54 : vector<1x192xi32>
    %jit3A_56 = arith.constant 0.000000e+00 : f32
    %broadcast_in_dim3A_57 = vector.shape_cast %eq3A_55 : vector<1x192xi1> to vector<1x192xi1>
    %broadcast_in_dim3A_58 = vector.broadcast %broadcast_in_dim3A_57 : vector<1x192xi1> to vector<64x192xi1>
    %broadcast_in_dim3A_59 = vector.broadcast %jit3A_56 : f32 to vector<64x192xf32>
    %select_n3A_60 = arith.select %broadcast_in_dim3A_58, %mul3A_27, %broadcast_in_dim3A_59 : vector<64x192xi1>, vector<64x192xf32>
    %eq3A_61 = arith.constant 2 : i32
    %eq3A_62 = vector.broadcast %eq3A_61 : i32 to vector<1x192xi32>
    %eq3A_63 = arith.cmpi eq, %select_n3A, %eq3A_62 : vector<1x192xi32>
    %jit3A_64 = arith.constant 0.000000e+00 : f32
    %broadcast_in_dim3A_65 = vector.shape_cast %eq3A_63 : vector<1x192xi1> to vector<1x192xi1>
    %broadcast_in_dim3A_66 = vector.broadcast %broadcast_in_dim3A_65 : vector<1x192xi1> to vector<64x192xi1>
    %broadcast_in_dim3A_67 = vector.broadcast %jit3A_64 : f32 to vector<64x192xf32>
    %select_n3A_68 = arith.select %broadcast_in_dim3A_66, %mul3A_27, %broadcast_in_dim3A_67 : vector<64x192xi1>, vector<64x192xf32>
    %eq3A_69 = arith.constant 3 : i32
    %eq3A_70 = vector.broadcast %eq3A_69 : i32 to vector<1x192xi32>
    %eq3A_71 = arith.cmpi eq, %select_n3A, %eq3A_70 : vector<1x192xi32>
    %jit3A_72 = arith.constant 0.000000e+00 : f32
    %broadcast_in_dim3A_73 = vector.shape_cast %eq3A_71 : vector<1x192xi1> to vector<1x192xi1>
    %broadcast_in_dim3A_74 = vector.broadcast %broadcast_in_dim3A_73 : vector<1x192xi1> to vector<64x192xi1>
    %broadcast_in_dim3A_75 = vector.broadcast %jit3A_72 : f32 to vector<64x192xf32>
    %select_n3A_76 = arith.select %broadcast_in_dim3A_74, %mul3A_27, %broadcast_in_dim3A_75 : vector<64x192xi1>, vector<64x192xf32>
    %eq3A_77 = arith.constant 4 : i32
    %eq3A_78 = vector.broadcast %eq3A_77 : i32 to vector<1x192xi32>
    %eq3A_79 = arith.cmpi eq, %select_n3A, %eq3A_78 : vector<1x192xi32>
    %jit3A_80 = arith.constant 0.000000e+00 : f32
    %broadcast_in_dim3A_81 = vector.shape_cast %eq3A_79 : vector<1x192xi1> to vector<1x192xi1>
    %broadcast_in_dim3A_82 = vector.broadcast %broadcast_in_dim3A_81 : vector<1x192xi1> to vector<64x192xi1>
    %broadcast_in_dim3A_83 = vector.broadcast %jit3A_80 : f32 to vector<64x192xf32>
    %select_n3A_84 = arith.select %broadcast_in_dim3A_82, %mul3A_27, %broadcast_in_dim3A_83 : vector<64x192xi1>, vector<64x192xf32>
    %eq3A_85 = arith.constant 5 : i32
    %eq3A_86 = vector.broadcast %eq3A_85 : i32 to vector<1x192xi32>
    %eq3A_87 = arith.cmpi eq, %select_n3A, %eq3A_86 : vector<1x192xi32>
    %jit3A_88 = arith.constant 0.000000e+00 : f32
    %broadcast_in_dim3A_89 = vector.shape_cast %eq3A_87 : vector<1x192xi1> to vector<1x192xi1>
    %broadcast_in_dim3A_90 = vector.broadcast %broadcast_in_dim3A_89 : vector<1x192xi1> to vector<64x192xi1>
    %broadcast_in_dim3A_91 = vector.broadcast %jit3A_88 : f32 to vector<64x192xf32>
    %select_n3A_92 = arith.select %broadcast_in_dim3A_90, %mul3A_27, %broadcast_in_dim3A_91 : vector<64x192xi1>, vector<64x192xf32>
    %concatenate3A_93 = tpu.concatenate %select_n3A_52, %select_n3A_60, %select_n3A_68, %select_n3A_76, %select_n3A_84, %select_n3A_92 in 0 : vector<64x192xf32>, vector<64x192xf32>, vector<64x192xf32>, vector<64x192xf32>, vector<64x192xf32>, vector<64x192xf32> -> vector<384x192xf32>
    %dot_general3A = arith.constant dense<0.000000e+00> : vector<384x256xf32>
    %dot_general3A_94 = tpu.matmul %concatenate3A_93, %concatenate3A, %dot_general3A {dimension_numbers = #tpu.dot_dimension_numbers<[1], [1], [0], [0], [0, 0, 1, 0], [], []>, transpose_lhs_hint = false} : vector<384x192xf32>, vector<256x192xf32>, vector<384x256xf32> -> vector<384x256xf32>
    %exp3A = math.exp %dot_general3A_94 : vector<384x256xf32>
    %reduce_sum3A = arith.constant dense<0.000000e+00> : vector<384xf32>
    %reduce_sum3A_95 = vector.multi_reduction <add>, %exp3A, %reduce_sum3A [1] : vector<384x256xf32> to vector<384xf32>
    %broadcast_in_dim3A_96 = vector.shape_cast %reduce_sum3A_95 : vector<384xf32> to vector<384x1xf32>
    %div3A_97 = arith.constant 1.000000e+00 : f32
    %div3A_98 = vector.broadcast %div3A_97 : f32 to vector<384x1xf32>
    %div3A_99 = arith.divf %div3A_98, %broadcast_in_dim3A_96 : vector<384x1xf32>
    %dot_general3A_100 = arith.constant dense<0.000000e+00> : vector<384x192xf32>
    %dot_general3A_101 = tpu.matmul %exp3A, %concatenate3A, %dot_general3A_100 {dimension_numbers = #tpu.dot_dimension_numbers<[1], [0], [0], [1], [0, 0, 1, 1], [], []>, transpose_lhs_hint = false} : vector<384x256xf32>, vector<256x192xf32>, vector<384x192xf32> -> vector<384x192xf32>
    %mul3A_102 = vector.broadcast %div3A_99 : vector<384x1xf32> to vector<384x192xf32>
    %mul3A_103 = arith.mulf %dot_general3A_101, %mul3A_102 : vector<384x192xf32>
    %slice3A_104 = vector.extract_strided_slice %mul3A_103 {offsets = [0, 0], sizes = [64, 192], strides = [1, 1]} : vector<384x192xf32> to vector<64x192xf32>
    %eq3A_105 = arith.constant 1 : i32
    %eq3A_106 = vector.broadcast %eq3A_105 : i32 to vector<1x192xi32>
    %eq3A_107 = arith.cmpi eq, %select_n3A, %eq3A_106 : vector<1x192xi32>
    %slice3A_108 = vector.extract_strided_slice %mul3A_103 {offsets = [64, 0], sizes = [64, 192], strides = [1, 1]} : vector<384x192xf32> to vector<64x192xf32>
    %broadcast_in_dim3A_109 = vector.shape_cast %eq3A_107 : vector<1x192xi1> to vector<1x192xi1>
    %broadcast_in_dim3A_110 = vector.broadcast %broadcast_in_dim3A_109 : vector<1x192xi1> to vector<64x192xi1>
    %select_n3A_111 = arith.select %broadcast_in_dim3A_110, %slice3A_108, %slice3A_104 : vector<64x192xi1>, vector<64x192xf32>
    %eq3A_112 = arith.constant 2 : i32
    %eq3A_113 = vector.broadcast %eq3A_112 : i32 to vector<1x192xi32>
    %eq3A_114 = arith.cmpi eq, %select_n3A, %eq3A_113 : vector<1x192xi32>
    %slice3A_115 = vector.extract_strided_slice %mul3A_103 {offsets = [128, 0], sizes = [64, 192], strides = [1, 1]} : vector<384x192xf32> to vector<64x192xf32>
    %broadcast_in_dim3A_116 = vector.shape_cast %eq3A_114 : vector<1x192xi1> to vector<1x192xi1>
    %broadcast_in_dim3A_117 = vector.broadcast %broadcast_in_dim3A_116 : vector<1x192xi1> to vector<64x192xi1>
    %select_n3A_118 = arith.select %broadcast_in_dim3A_117, %slice3A_115, %select_n3A_111 : vector<64x192xi1>, vector<64x192xf32>
    %eq3A_119 = arith.constant 3 : i32
    %eq3A_120 = vector.broadcast %eq3A_119 : i32 to vector<1x192xi32>
    %eq3A_121 = arith.cmpi eq, %select_n3A, %eq3A_120 : vector<1x192xi32>
    %slice3A_122 = vector.extract_strided_slice %mul3A_103 {offsets = [192, 0], sizes = [64, 192], strides = [1, 1]} : vector<384x192xf32> to vector<64x192xf32>
    %broadcast_in_dim3A_123 = vector.shape_cast %eq3A_121 : vector<1x192xi1> to vector<1x192xi1>
    %broadcast_in_dim3A_124 = vector.broadcast %broadcast_in_dim3A_123 : vector<1x192xi1> to vector<64x192xi1>
    %select_n3A_125 = arith.select %broadcast_in_dim3A_124, %slice3A_122, %select_n3A_118 : vector<64x192xi1>, vector<64x192xf32>
    %eq3A_126 = arith.constant 4 : i32
    %eq3A_127 = vector.broadcast %eq3A_126 : i32 to vector<1x192xi32>
    %eq3A_128 = arith.cmpi eq, %select_n3A, %eq3A_127 : vector<1x192xi32>
    %slice3A_129 = vector.extract_strided_slice %mul3A_103 {offsets = [256, 0], sizes = [64, 192], strides = [1, 1]} : vector<384x192xf32> to vector<64x192xf32>
    %broadcast_in_dim3A_130 = vector.shape_cast %eq3A_128 : vector<1x192xi1> to vector<1x192xi1>
    %broadcast_in_dim3A_131 = vector.broadcast %broadcast_in_dim3A_130 : vector<1x192xi1> to vector<64x192xi1>
    %select_n3A_132 = arith.select %broadcast_in_dim3A_131, %slice3A_129, %select_n3A_125 : vector<64x192xi1>, vector<64x192xf32>
    %eq3A_133 = arith.constant 5 : i32
    %eq3A_134 = vector.broadcast %eq3A_133 : i32 to vector<1x192xi32>
    %eq3A_135 = arith.cmpi eq, %select_n3A, %eq3A_134 : vector<1x192xi32>
    %slice3A_136 = vector.extract_strided_slice %mul3A_103 {offsets = [320, 0], sizes = [64, 192], strides = [1, 1]} : vector<384x192xf32> to vector<64x192xf32>
    %broadcast_in_dim3A_137 = vector.shape_cast %eq3A_135 : vector<1x192xi1> to vector<1x192xi1>
    %broadcast_in_dim3A_138 = vector.broadcast %broadcast_in_dim3A_137 : vector<1x192xi1> to vector<64x192xi1>
    %select_n3A_139 = arith.select %broadcast_in_dim3A_138, %slice3A_136, %select_n3A_132 : vector<64x192xi1>, vector<64x192xf32>
    %reshape3A_140 = vector.shape_cast %select_n3A_139 : vector<64x192xf32> to vector<1x64x192xf32>
    %slice3A_141 = vector.extract_strided_slice %get3A_2 {offsets = [1, 0, 0], sizes = [1, 64, 192], strides = [1, 1, 1]} : vector<7x64x192xf32> to vector<1x64x192xf32>
    %squeeze3A_142 = vector.shape_cast %slice3A_141 : vector<1x64x192xf32> to vector<64x192xf32>
    %mul3A_143 = arith.constant 0.0721687824 : f32
    %mul3A_144 = vector.broadcast %mul3A_143 : f32 to vector<64x192xf32>
    %mul3A_145 = arith.mulf %squeeze3A_142, %mul3A_144 : vector<64x192xf32>
    %get3A_146 = arith.constant 0 : index
    %get3A_147 = arith.constant 0 : index
    %get3A_148 = arith.constant 0 : index
    %get3A_149 = vector.load %arg7[%get3A_146, %get3A_147, %get3A_148] : memref<1x64x192xf32, #tpu.memory_space<vmem>>, vector<1x64x192xf32>
    %reshape3A_150 = vector.shape_cast %get3A_149 : vector<1x64x192xf32> to vector<64x192xf32>
    %get3A_151 = arith.constant 0 : index
    %get3A_152 = arith.constant 0 : index
    %get3A_153 = arith.constant 0 : index
    %get3A_154 = vector.load %arg8[%get3A_151, %get3A_152, %get3A_153] : memref<1x64x192xf32, #tpu.memory_space<vmem>>, vector<1x64x192xf32>
    %reshape3A_155 = vector.shape_cast %get3A_154 : vector<1x64x192xf32> to vector<64x192xf32>
    %get3A_156 = arith.constant 0 : index
    %get3A_157 = arith.constant 0 : index
    %get3A_158 = arith.constant 0 : index
    %get3A_159 = vector.load %arg9[%get3A_156, %get3A_157, %get3A_158] : memref<1x64x192xf32, #tpu.memory_space<vmem>>, vector<1x64x192xf32>
    %reshape3A_160 = vector.shape_cast %get3A_159 : vector<1x64x192xf32> to vector<64x192xf32>
    %get3A_161 = arith.constant 0 : index
    %get3A_162 = arith.constant 0 : index
    %get3A_163 = arith.constant 0 : index
    %get3A_164 = vector.load %arg10[%get3A_161, %get3A_162, %get3A_163] : memref<1x64x192xf32, #tpu.memory_space<vmem>>, vector<1x64x192xf32>
    %reshape3A_165 = vector.shape_cast %get3A_164 : vector<1x64x192xf32> to vector<64x192xf32>
    %concatenate3A_166 = tpu.concatenate %reshape3A_150, %reshape3A_155, %reshape3A_160, %reshape3A_165 in 0 : vector<64x192xf32>, vector<64x192xf32>, vector<64x192xf32>, vector<64x192xf32> -> vector<256x192xf32>
    %eq3A_167 = arith.constant 0 : i32
    %eq3A_168 = vector.broadcast %eq3A_167 : i32 to vector<1x192xi32>
    %eq3A_169 = arith.cmpi eq, %select_n3A, %eq3A_168 : vector<1x192xi32>
    %jit3A_170 = arith.constant 0.000000e+00 : f32
    %broadcast_in_dim3A_171 = vector.shape_cast %eq3A_169 : vector<1x192xi1> to vector<1x192xi1>
    %broadcast_in_dim3A_172 = vector.broadcast %broadcast_in_dim3A_171 : vector<1x192xi1> to vector<64x192xi1>
    %broadcast_in_dim3A_173 = vector.broadcast %jit3A_170 : f32 to vector<64x192xf32>
    %select_n3A_174 = arith.select %broadcast_in_dim3A_172, %mul3A_145, %broadcast_in_dim3A_173 : vector<64x192xi1>, vector<64x192xf32>
    %eq3A_175 = arith.constant 1 : i32
    %eq3A_176 = vector.broadcast %eq3A_175 : i32 to vector<1x192xi32>
    %eq3A_177 = arith.cmpi eq, %select_n3A, %eq3A_176 : vector<1x192xi32>
    %jit3A_178 = arith.constant 0.000000e+00 : f32
    %broadcast_in_dim3A_179 = vector.shape_cast %eq3A_177 : vector<1x192xi1> to vector<1x192xi1>
    %broadcast_in_dim3A_180 = vector.broadcast %broadcast_in_dim3A_179 : vector<1x192xi1> to vector<64x192xi1>
    %broadcast_in_dim3A_181 = vector.broadcast %jit3A_178 : f32 to vector<64x192xf32>
    %select_n3A_182 = arith.select %broadcast_in_dim3A_180, %mul3A_145, %broadcast_in_dim3A_181 : vector<64x192xi1>, vector<64x192xf32>
    %eq3A_183 = arith.constant 2 : i32
    %eq3A_184 = vector.broadcast %eq3A_183 : i32 to vector<1x192xi32>
    %eq3A_185 = arith.cmpi eq, %select_n3A, %eq3A_184 : vector<1x192xi32>
    %jit3A_186 = arith.constant 0.000000e+00 : f32
    %broadcast_in_dim3A_187 = vector.shape_cast %eq3A_185 : vector<1x192xi1> to vector<1x192xi1>
    %broadcast_in_dim3A_188 = vector.broadcast %broadcast_in_dim3A_187 : vector<1x192xi1> to vector<64x192xi1>
    %broadcast_in_dim3A_189 = vector.broadcast %jit3A_186 : f32 to vector<64x192xf32>
    %select_n3A_190 = arith.select %broadcast_in_dim3A_188, %mul3A_145, %broadcast_in_dim3A_189 : vector<64x192xi1>, vector<64x192xf32>
    %eq3A_191 = arith.constant 3 : i32
    %eq3A_192 = vector.broadcast %eq3A_191 : i32 to vector<1x192xi32>
    %eq3A_193 = arith.cmpi eq, %select_n3A, %eq3A_192 : vector<1x192xi32>
    %jit3A_194 = arith.constant 0.000000e+00 : f32
    %broadcast_in_dim3A_195 = vector.shape_cast %eq3A_193 : vector<1x192xi1> to vector<1x192xi1>
    %broadcast_in_dim3A_196 = vector.broadcast %broadcast_in_dim3A_195 : vector<1x192xi1> to vector<64x192xi1>
    %broadcast_in_dim3A_197 = vector.broadcast %jit3A_194 : f32 to vector<64x192xf32>
    %select_n3A_198 = arith.select %broadcast_in_dim3A_196, %mul3A_145, %broadcast_in_dim3A_197 : vector<64x192xi1>, vector<64x192xf32>
    %eq3A_199 = arith.constant 4 : i32
    %eq3A_200 = vector.broadcast %eq3A_199 : i32 to vector<1x192xi32>
    %eq3A_201 = arith.cmpi eq, %select_n3A, %eq3A_200 : vector<1x192xi32>
    %jit3A_202 = arith.constant 0.000000e+00 : f32
    %broadcast_in_dim3A_203 = vector.shape_cast %eq3A_201 : vector<1x192xi1> to vector<1x192xi1>
    %broadcast_in_dim3A_204 = vector.broadcast %broadcast_in_dim3A_203 : vector<1x192xi1> to vector<64x192xi1>
    %broadcast_in_dim3A_205 = vector.broadcast %jit3A_202 : f32 to vector<64x192xf32>
    %select_n3A_206 = arith.select %broadcast_in_dim3A_204, %mul3A_145, %broadcast_in_dim3A_205 : vector<64x192xi1>, vector<64x192xf32>
    %eq3A_207 = arith.constant 5 : i32
    %eq3A_208 = vector.broadcast %eq3A_207 : i32 to vector<1x192xi32>
    %eq3A_209 = arith.cmpi eq, %select_n3A, %eq3A_208 : vector<1x192xi32>
    %jit3A_210 = arith.constant 0.000000e+00 : f32
    %broadcast_in_dim3A_211 = vector.shape_cast %eq3A_209 : vector<1x192xi1> to vector<1x192xi1>
    %broadcast_in_dim3A_212 = vector.broadcast %broadcast_in_dim3A_211 : vector<1x192xi1> to vector<64x192xi1>
    %broadcast_in_dim3A_213 = vector.broadcast %jit3A_210 : f32 to vector<64x192xf32>
    %select_n3A_214 = arith.select %broadcast_in_dim3A_212, %mul3A_145, %broadcast_in_dim3A_213 : vector<64x192xi1>, vector<64x192xf32>
    %concatenate3A_215 = tpu.concatenate %select_n3A_174, %select_n3A_182, %select_n3A_190, %select_n3A_198, %select_n3A_206, %select_n3A_214 in 0 : vector<64x192xf32>, vector<64x192xf32>, vector<64x192xf32>, vector<64x192xf32>, vector<64x192xf32>, vector<64x192xf32> -> vector<384x192xf32>
    %dot_general3A_216 = arith.constant dense<0.000000e+00> : vector<384x256xf32>
    %dot_general3A_217 = tpu.matmul %concatenate3A_215, %concatenate3A_166, %dot_general3A_216 {dimension_numbers = #tpu.dot_dimension_numbers<[1], [1], [0], [0], [0, 0, 1, 0], [], []>, transpose_lhs_hint = false} : vector<384x192xf32>, vector<256x192xf32>, vector<384x256xf32> -> vector<384x256xf32>
    %exp3A_218 = math.exp %dot_general3A_217 : vector<384x256xf32>
    %reduce_sum3A_219 = arith.constant dense<0.000000e+00> : vector<384xf32>
    %reduce_sum3A_220 = vector.multi_reduction <add>, %exp3A_218, %reduce_sum3A_219 [1] : vector<384x256xf32> to vector<384xf32>
    %broadcast_in_dim3A_221 = vector.shape_cast %reduce_sum3A_220 : vector<384xf32> to vector<384x1xf32>
    %div3A_222 = arith.constant 1.000000e+00 : f32
    %div3A_223 = vector.broadcast %div3A_222 : f32 to vector<384x1xf32>
    %div3A_224 = arith.divf %div3A_223, %broadcast_in_dim3A_221 : vector<384x1xf32>
    %dot_general3A_225 = arith.constant dense<0.000000e+00> : vector<384x192xf32>
    %dot_general3A_226 = tpu.matmul %exp3A_218, %concatenate3A_166, %dot_general3A_225 {dimension_numbers = #tpu.dot_dimension_numbers<[1], [0], [0], [1], [0, 0, 1, 1], [], []>, transpose_lhs_hint = false} : vector<384x256xf32>, vector<256x192xf32>, vector<384x192xf32> -> vector<384x192xf32>
    %mul3A_227 = vector.broadcast %div3A_224 : vector<384x1xf32> to vector<384x192xf32>
    %mul3A_228 = arith.mulf %dot_general3A_226, %mul3A_227 : vector<384x192xf32>
    %slice3A_229 = vector.extract_strided_slice %mul3A_228 {offsets = [0, 0], sizes = [64, 192], strides = [1, 1]} : vector<384x192xf32> to vector<64x192xf32>
    %eq3A_230 = arith.constant 1 : i32
    %eq3A_231 = vector.broadcast %eq3A_230 : i32 to vector<1x192xi32>
    %eq3A_232 = arith.cmpi eq, %select_n3A, %eq3A_231 : vector<1x192xi32>
    %slice3A_233 = vector.extract_strided_slice %mul3A_228 {offsets = [64, 0], sizes = [64, 192], strides = [1, 1]} : vector<384x192xf32> to vector<64x192xf32>
    %broadcast_in_dim3A_234 = vector.shape_cast %eq3A_232 : vector<1x192xi1> to vector<1x192xi1>
    %broadcast_in_dim3A_235 = vector.broadcast %broadcast_in_dim3A_234 : vector<1x192xi1> to vector<64x192xi1>
    %select_n3A_236 = arith.select %broadcast_in_dim3A_235, %slice3A_233, %slice3A_229 : vector<64x192xi1>, vector<64x192xf32>
    %eq3A_237 = arith.constant 2 : i32
    %eq3A_238 = vector.broadcast %eq3A_237 : i32 to vector<1x192xi32>
    %eq3A_239 = arith.cmpi eq, %select_n3A, %eq3A_238 : vector<1x192xi32>
    %slice3A_240 = vector.extract_strided_slice %mul3A_228 {offsets = [128, 0], sizes = [64, 192], strides = [1, 1]} : vector<384x192xf32> to vector<64x192xf32>
    %broadcast_in_dim3A_241 = vector.shape_cast %eq3A_239 : vector<1x192xi1> to vector<1x192xi1>
    %broadcast_in_dim3A_242 = vector.broadcast %broadcast_in_dim3A_241 : vector<1x192xi1> to vector<64x192xi1>
    %select_n3A_243 = arith.select %broadcast_in_dim3A_242, %slice3A_240, %select_n3A_236 : vector<64x192xi1>, vector<64x192xf32>
    %eq3A_244 = arith.constant 3 : i32
    %eq3A_245 = vector.broadcast %eq3A_244 : i32 to vector<1x192xi32>
    %eq3A_246 = arith.cmpi eq, %select_n3A, %eq3A_245 : vector<1x192xi32>
    %slice3A_247 = vector.extract_strided_slice %mul3A_228 {offsets = [192, 0], sizes = [64, 192], strides = [1, 1]} : vector<384x192xf32> to vector<64x192xf32>
    %broadcast_in_dim3A_248 = vector.shape_cast %eq3A_246 : vector<1x192xi1> to vector<1x192xi1>
    %broadcast_in_dim3A_249 = vector.broadcast %broadcast_in_dim3A_248 : vector<1x192xi1> to vector<64x192xi1>
    %select_n3A_250 = arith.select %broadcast_in_dim3A_249, %slice3A_247, %select_n3A_243 : vector<64x192xi1>, vector<64x192xf32>
    %eq3A_251 = arith.constant 4 : i32
    %eq3A_252 = vector.broadcast %eq3A_251 : i32 to vector<1x192xi32>
    %eq3A_253 = arith.cmpi eq, %select_n3A, %eq3A_252 : vector<1x192xi32>
    %slice3A_254 = vector.extract_strided_slice %mul3A_228 {offsets = [256, 0], sizes = [64, 192], strides = [1, 1]} : vector<384x192xf32> to vector<64x192xf32>
    %broadcast_in_dim3A_255 = vector.shape_cast %eq3A_253 : vector<1x192xi1> to vector<1x192xi1>
    %broadcast_in_dim3A_256 = vector.broadcast %broadcast_in_dim3A_255 : vector<1x192xi1> to vector<64x192xi1>
    %select_n3A_257 = arith.select %broadcast_in_dim3A_256, %slice3A_254, %select_n3A_250 : vector<64x192xi1>, vector<64x192xf32>
    %eq3A_258 = arith.constant 5 : i32
    %eq3A_259 = vector.broadcast %eq3A_258 : i32 to vector<1x192xi32>
    %eq3A_260 = arith.cmpi eq, %select_n3A, %eq3A_259 : vector<1x192xi32>
    %slice3A_261 = vector.extract_strided_slice %mul3A_228 {offsets = [320, 0], sizes = [64, 192], strides = [1, 1]} : vector<384x192xf32> to vector<64x192xf32>
    %broadcast_in_dim3A_262 = vector.shape_cast %eq3A_260 : vector<1x192xi1> to vector<1x192xi1>
    %broadcast_in_dim3A_263 = vector.broadcast %broadcast_in_dim3A_262 : vector<1x192xi1> to vector<64x192xi1>
    %select_n3A_264 = arith.select %broadcast_in_dim3A_263, %slice3A_261, %select_n3A_257 : vector<64x192xi1>, vector<64x192xf32>
    %reshape3A_265 = vector.shape_cast %select_n3A_264 : vector<64x192xf32> to vector<1x64x192xf32>
    %slice3A_266 = vector.extract_strided_slice %get3A_2 {offsets = [2, 0, 0], sizes = [1, 64, 192], strides = [1, 1, 1]} : vector<7x64x192xf32> to vector<1x64x192xf32>
    %squeeze3A_267 = vector.shape_cast %slice3A_266 : vector<1x64x192xf32> to vector<64x192xf32>
    %mul3A_268 = arith.constant 0.0721687824 : f32
    %mul3A_269 = vector.broadcast %mul3A_268 : f32 to vector<64x192xf32>
    %mul3A_270 = arith.mulf %squeeze3A_267, %mul3A_269 : vector<64x192xf32>
    %get3A_271 = arith.constant 0 : index
    %get3A_272 = arith.constant 0 : index
    %get3A_273 = arith.constant 0 : index
    %get3A_274 = vector.load %arg11[%get3A_271, %get3A_272, %get3A_273] : memref<1x64x192xf32, #tpu.memory_space<vmem>>, vector<1x64x192xf32>
    %reshape3A_275 = vector.shape_cast %get3A_274 : vector<1x64x192xf32> to vector<64x192xf32>
    %get3A_276 = arith.constant 0 : index
    %get3A_277 = arith.constant 0 : index
    %get3A_278 = arith.constant 0 : index
    %get3A_279 = vector.load %arg12[%get3A_276, %get3A_277, %get3A_278] : memref<1x64x192xf32, #tpu.memory_space<vmem>>, vector<1x64x192xf32>
    %reshape3A_280 = vector.shape_cast %get3A_279 : vector<1x64x192xf32> to vector<64x192xf32>
    %get3A_281 = arith.constant 0 : index
    %get3A_282 = arith.constant 0 : index
    %get3A_283 = arith.constant 0 : index
    %get3A_284 = vector.load %arg13[%get3A_281, %get3A_282, %get3A_283] : memref<1x64x192xf32, #tpu.memory_space<vmem>>, vector<1x64x192xf32>
    %reshape3A_285 = vector.shape_cast %get3A_284 : vector<1x64x192xf32> to vector<64x192xf32>
    %get3A_286 = arith.constant 0 : index
    %get3A_287 = arith.constant 0 : index
    %get3A_288 = arith.constant 0 : index
    %get3A_289 = vector.load %arg14[%get3A_286, %get3A_287, %get3A_288] : memref<1x64x192xf32, #tpu.memory_space<vmem>>, vector<1x64x192xf32>
    %reshape3A_290 = vector.shape_cast %get3A_289 : vector<1x64x192xf32> to vector<64x192xf32>
    %concatenate3A_291 = tpu.concatenate %reshape3A_275, %reshape3A_280, %reshape3A_285, %reshape3A_290 in 0 : vector<64x192xf32>, vector<64x192xf32>, vector<64x192xf32>, vector<64x192xf32> -> vector<256x192xf32>
    %eq3A_292 = arith.constant 0 : i32
    %eq3A_293 = vector.broadcast %eq3A_292 : i32 to vector<1x192xi32>
    %eq3A_294 = arith.cmpi eq, %select_n3A, %eq3A_293 : vector<1x192xi32>
    %jit3A_295 = arith.constant 0.000000e+00 : f32
    %broadcast_in_dim3A_296 = vector.shape_cast %eq3A_294 : vector<1x192xi1> to vector<1x192xi1>
    %broadcast_in_dim3A_297 = vector.broadcast %broadcast_in_dim3A_296 : vector<1x192xi1> to vector<64x192xi1>
    %broadcast_in_dim3A_298 = vector.broadcast %jit3A_295 : f32 to vector<64x192xf32>
    %select_n3A_299 = arith.select %broadcast_in_dim3A_297, %mul3A_270, %broadcast_in_dim3A_298 : vector<64x192xi1>, vector<64x192xf32>
    %eq3A_300 = arith.constant 1 : i32
    %eq3A_301 = vector.broadcast %eq3A_300 : i32 to vector<1x192xi32>
    %eq3A_302 = arith.cmpi eq, %select_n3A, %eq3A_301 : vector<1x192xi32>
    %jit3A_303 = arith.constant 0.000000e+00 : f32
    %broadcast_in_dim3A_304 = vector.shape_cast %eq3A_302 : vector<1x192xi1> to vector<1x192xi1>
    %broadcast_in_dim3A_305 = vector.broadcast %broadcast_in_dim3A_304 : vector<1x192xi1> to vector<64x192xi1>
    %broadcast_in_dim3A_306 = vector.broadcast %jit3A_303 : f32 to vector<64x192xf32>
    %select_n3A_307 = arith.select %broadcast_in_dim3A_305, %mul3A_270, %broadcast_in_dim3A_306 : vector<64x192xi1>, vector<64x192xf32>
    %eq3A_308 = arith.constant 2 : i32
    %eq3A_309 = vector.broadcast %eq3A_308 : i32 to vector<1x192xi32>
    %eq3A_310 = arith.cmpi eq, %select_n3A, %eq3A_309 : vector<1x192xi32>
    %jit3A_311 = arith.constant 0.000000e+00 : f32
    %broadcast_in_dim3A_312 = vector.shape_cast %eq3A_310 : vector<1x192xi1> to vector<1x192xi1>
    %broadcast_in_dim3A_313 = vector.broadcast %broadcast_in_dim3A_312 : vector<1x192xi1> to vector<64x192xi1>
    %broadcast_in_dim3A_314 = vector.broadcast %jit3A_311 : f32 to vector<64x192xf32>
    %select_n3A_315 = arith.select %broadcast_in_dim3A_313, %mul3A_270, %broadcast_in_dim3A_314 : vector<64x192xi1>, vector<64x192xf32>
    %eq3A_316 = arith.constant 3 : i32
    %eq3A_317 = vector.broadcast %eq3A_316 : i32 to vector<1x192xi32>
    %eq3A_318 = arith.cmpi eq, %select_n3A, %eq3A_317 : vector<1x192xi32>
    %jit3A_319 = arith.constant 0.000000e+00 : f32
    %broadcast_in_dim3A_320 = vector.shape_cast %eq3A_318 : vector<1x192xi1> to vector<1x192xi1>
    %broadcast_in_dim3A_321 = vector.broadcast %broadcast_in_dim3A_320 : vector<1x192xi1> to vector<64x192xi1>
    %broadcast_in_dim3A_322 = vector.broadcast %jit3A_319 : f32 to vector<64x192xf32>
    %select_n3A_323 = arith.select %broadcast_in_dim3A_321, %mul3A_270, %broadcast_in_dim3A_322 : vector<64x192xi1>, vector<64x192xf32>
    %eq3A_324 = arith.constant 4 : i32
    %eq3A_325 = vector.broadcast %eq3A_324 : i32 to vector<1x192xi32>
    %eq3A_326 = arith.cmpi eq, %select_n3A, %eq3A_325 : vector<1x192xi32>
    %jit3A_327 = arith.constant 0.000000e+00 : f32
    %broadcast_in_dim3A_328 = vector.shape_cast %eq3A_326 : vector<1x192xi1> to vector<1x192xi1>
    %broadcast_in_dim3A_329 = vector.broadcast %broadcast_in_dim3A_328 : vector<1x192xi1> to vector<64x192xi1>
    %broadcast_in_dim3A_330 = vector.broadcast %jit3A_327 : f32 to vector<64x192xf32>
    %select_n3A_331 = arith.select %broadcast_in_dim3A_329, %mul3A_270, %broadcast_in_dim3A_330 : vector<64x192xi1>, vector<64x192xf32>
    %eq3A_332 = arith.constant 5 : i32
    %eq3A_333 = vector.broadcast %eq3A_332 : i32 to vector<1x192xi32>
    %eq3A_334 = arith.cmpi eq, %select_n3A, %eq3A_333 : vector<1x192xi32>
    %jit3A_335 = arith.constant 0.000000e+00 : f32
    %broadcast_in_dim3A_336 = vector.shape_cast %eq3A_334 : vector<1x192xi1> to vector<1x192xi1>
    %broadcast_in_dim3A_337 = vector.broadcast %broadcast_in_dim3A_336 : vector<1x192xi1> to vector<64x192xi1>
    %broadcast_in_dim3A_338 = vector.broadcast %jit3A_335 : f32 to vector<64x192xf32>
    %select_n3A_339 = arith.select %broadcast_in_dim3A_337, %mul3A_270, %broadcast_in_dim3A_338 : vector<64x192xi1>, vector<64x192xf32>
    %concatenate3A_340 = tpu.concatenate %select_n3A_299, %select_n3A_307, %select_n3A_315, %select_n3A_323, %select_n3A_331, %select_n3A_339 in 0 : vector<64x192xf32>, vector<64x192xf32>, vector<64x192xf32>, vector<64x192xf32>, vector<64x192xf32>, vector<64x192xf32> -> vector<384x192xf32>
    %dot_general3A_341 = arith.constant dense<0.000000e+00> : vector<384x256xf32>
    %dot_general3A_342 = tpu.matmul %concatenate3A_340, %concatenate3A_291, %dot_general3A_341 {dimension_numbers = #tpu.dot_dimension_numbers<[1], [1], [0], [0], [0, 0, 1, 0], [], []>, transpose_lhs_hint = false} : vector<384x192xf32>, vector<256x192xf32>, vector<384x256xf32> -> vector<384x256xf32>
    %exp3A_343 = math.exp %dot_general3A_342 : vector<384x256xf32>
    %reduce_sum3A_344 = arith.constant dense<0.000000e+00> : vector<384xf32>
    %reduce_sum3A_345 = vector.multi_reduction <add>, %exp3A_343, %reduce_sum3A_344 [1] : vector<384x256xf32> to vector<384xf32>
    %broadcast_in_dim3A_346 = vector.shape_cast %reduce_sum3A_345 : vector<384xf32> to vector<384x1xf32>
    %div3A_347 = arith.constant 1.000000e+00 : f32
    %div3A_348 = vector.broadcast %div3A_347 : f32 to vector<384x1xf32>
    %div3A_349 = arith.divf %div3A_348, %broadcast_in_dim3A_346 : vector<384x1xf32>
    %dot_general3A_350 = arith.constant dense<0.000000e+00> : vector<384x192xf32>
    %dot_general3A_351 = tpu.matmul %exp3A_343, %concatenate3A_291, %dot_general3A_350 {dimension_numbers = #tpu.dot_dimension_numbers<[1], [0], [0], [1], [0, 0, 1, 1], [], []>, transpose_lhs_hint = false} : vector<384x256xf32>, vector<256x192xf32>, vector<384x192xf32> -> vector<384x192xf32>
    %mul3A_352 = vector.broadcast %div3A_349 : vector<384x1xf32> to vector<384x192xf32>
    %mul3A_353 = arith.mulf %dot_general3A_351, %mul3A_352 : vector<384x192xf32>
    %slice3A_354 = vector.extract_strided_slice %mul3A_353 {offsets = [0, 0], sizes = [64, 192], strides = [1, 1]} : vector<384x192xf32> to vector<64x192xf32>
    %eq3A_355 = arith.constant 1 : i32
    %eq3A_356 = vector.broadcast %eq3A_355 : i32 to vector<1x192xi32>
    %eq3A_357 = arith.cmpi eq, %select_n3A, %eq3A_356 : vector<1x192xi32>
    %slice3A_358 = vector.extract_strided_slice %mul3A_353 {offsets = [64, 0], sizes = [64, 192], strides = [1, 1]} : vector<384x192xf32> to vector<64x192xf32>
    %broadcast_in_dim3A_359 = vector.shape_cast %eq3A_357 : vector<1x192xi1> to vector<1x192xi1>
    %broadcast_in_dim3A_360 = vector.broadcast %broadcast_in_dim3A_359 : vector<1x192xi1> to vector<64x192xi1>
    %select_n3A_361 = arith.select %broadcast_in_dim3A_360, %slice3A_358, %slice3A_354 : vector<64x192xi1>, vector<64x192xf32>
    %eq3A_362 = arith.constant 2 : i32
    %eq3A_363 = vector.broadcast %eq3A_362 : i32 to vector<1x192xi32>
    %eq3A_364 = arith.cmpi eq, %select_n3A, %eq3A_363 : vector<1x192xi32>
    %slice3A_365 = vector.extract_strided_slice %mul3A_353 {offsets = [128, 0], sizes = [64, 192], strides = [1, 1]} : vector<384x192xf32> to vector<64x192xf32>
    %broadcast_in_dim3A_366 = vector.shape_cast %eq3A_364 : vector<1x192xi1> to vector<1x192xi1>
    %broadcast_in_dim3A_367 = vector.broadcast %broadcast_in_dim3A_366 : vector<1x192xi1> to vector<64x192xi1>
    %select_n3A_368 = arith.select %broadcast_in_dim3A_367, %slice3A_365, %select_n3A_361 : vector<64x192xi1>, vector<64x192xf32>
    %eq3A_369 = arith.constant 3 : i32
    %eq3A_370 = vector.broadcast %eq3A_369 : i32 to vector<1x192xi32>
    %eq3A_371 = arith.cmpi eq, %select_n3A, %eq3A_370 : vector<1x192xi32>
    %slice3A_372 = vector.extract_strided_slice %mul3A_353 {offsets = [192, 0], sizes = [64, 192], strides = [1, 1]} : vector<384x192xf32> to vector<64x192xf32>
    %broadcast_in_dim3A_373 = vector.shape_cast %eq3A_371 : vector<1x192xi1> to vector<1x192xi1>
    %broadcast_in_dim3A_374 = vector.broadcast %broadcast_in_dim3A_373 : vector<1x192xi1> to vector<64x192xi1>
    %select_n3A_375 = arith.select %broadcast_in_dim3A_374, %slice3A_372, %select_n3A_368 : vector<64x192xi1>, vector<64x192xf32>
    %eq3A_376 = arith.constant 4 : i32
    %eq3A_377 = vector.broadcast %eq3A_376 : i32 to vector<1x192xi32>
    %eq3A_378 = arith.cmpi eq, %select_n3A, %eq3A_377 : vector<1x192xi32>
    %slice3A_379 = vector.extract_strided_slice %mul3A_353 {offsets = [256, 0], sizes = [64, 192], strides = [1, 1]} : vector<384x192xf32> to vector<64x192xf32>
    %broadcast_in_dim3A_380 = vector.shape_cast %eq3A_378 : vector<1x192xi1> to vector<1x192xi1>
    %broadcast_in_dim3A_381 = vector.broadcast %broadcast_in_dim3A_380 : vector<1x192xi1> to vector<64x192xi1>
    %select_n3A_382 = arith.select %broadcast_in_dim3A_381, %slice3A_379, %select_n3A_375 : vector<64x192xi1>, vector<64x192xf32>
    %eq3A_383 = arith.constant 5 : i32
    %eq3A_384 = vector.broadcast %eq3A_383 : i32 to vector<1x192xi32>
    %eq3A_385 = arith.cmpi eq, %select_n3A, %eq3A_384 : vector<1x192xi32>
    %slice3A_386 = vector.extract_strided_slice %mul3A_353 {offsets = [320, 0], sizes = [64, 192], strides = [1, 1]} : vector<384x192xf32> to vector<64x192xf32>
    %broadcast_in_dim3A_387 = vector.shape_cast %eq3A_385 : vector<1x192xi1> to vector<1x192xi1>
    %broadcast_in_dim3A_388 = vector.broadcast %broadcast_in_dim3A_387 : vector<1x192xi1> to vector<64x192xi1>
    %select_n3A_389 = arith.select %broadcast_in_dim3A_388, %slice3A_386, %select_n3A_382 : vector<64x192xi1>, vector<64x192xf32>
    %reshape3A_390 = vector.shape_cast %select_n3A_389 : vector<64x192xf32> to vector<1x64x192xf32>
    %slice3A_391 = vector.extract_strided_slice %get3A_2 {offsets = [3, 0, 0], sizes = [1, 64, 192], strides = [1, 1, 1]} : vector<7x64x192xf32> to vector<1x64x192xf32>
    %squeeze3A_392 = vector.shape_cast %slice3A_391 : vector<1x64x192xf32> to vector<64x192xf32>
    %mul3A_393 = arith.constant 0.0721687824 : f32
    %mul3A_394 = vector.broadcast %mul3A_393 : f32 to vector<64x192xf32>
    %mul3A_395 = arith.mulf %squeeze3A_392, %mul3A_394 : vector<64x192xf32>
    %get3A_396 = arith.constant 0 : index
    %get3A_397 = arith.constant 0 : index
    %get3A_398 = arith.constant 0 : index
    %get3A_399 = vector.load %arg15[%get3A_396, %get3A_397, %get3A_398] : memref<1x64x192xf32, #tpu.memory_space<vmem>>, vector<1x64x192xf32>
    %reshape3A_400 = vector.shape_cast %get3A_399 : vector<1x64x192xf32> to vector<64x192xf32>
    %get3A_401 = arith.constant 0 : index
    %get3A_402 = arith.constant 0 : index
    %get3A_403 = arith.constant 0 : index
    %get3A_404 = vector.load %arg16[%get3A_401, %get3A_402, %get3A_403] : memref<1x64x192xf32, #tpu.memory_space<vmem>>, vector<1x64x192xf32>
    %reshape3A_405 = vector.shape_cast %get3A_404 : vector<1x64x192xf32> to vector<64x192xf32>
    %get3A_406 = arith.constant 0 : index
    %get3A_407 = arith.constant 0 : index
    %get3A_408 = arith.constant 0 : index
    %get3A_409 = vector.load %arg17[%get3A_406, %get3A_407, %get3A_408] : memref<1x64x192xf32, #tpu.memory_space<vmem>>, vector<1x64x192xf32>
    %reshape3A_410 = vector.shape_cast %get3A_409 : vector<1x64x192xf32> to vector<64x192xf32>
    %get3A_411 = arith.constant 0 : index
    %get3A_412 = arith.constant 0 : index
    %get3A_413 = arith.constant 0 : index
    %get3A_414 = vector.load %arg18[%get3A_411, %get3A_412, %get3A_413] : memref<1x64x192xf32, #tpu.memory_space<vmem>>, vector<1x64x192xf32>
    %reshape3A_415 = vector.shape_cast %get3A_414 : vector<1x64x192xf32> to vector<64x192xf32>
    %concatenate3A_416 = tpu.concatenate %reshape3A_400, %reshape3A_405, %reshape3A_410, %reshape3A_415 in 0 : vector<64x192xf32>, vector<64x192xf32>, vector<64x192xf32>, vector<64x192xf32> -> vector<256x192xf32>
    %eq3A_417 = arith.constant 0 : i32
    %eq3A_418 = vector.broadcast %eq3A_417 : i32 to vector<1x192xi32>
    %eq3A_419 = arith.cmpi eq, %select_n3A, %eq3A_418 : vector<1x192xi32>
    %jit3A_420 = arith.constant 0.000000e+00 : f32
    %broadcast_in_dim3A_421 = vector.shape_cast %eq3A_419 : vector<1x192xi1> to vector<1x192xi1>
    %broadcast_in_dim3A_422 = vector.broadcast %broadcast_in_dim3A_421 : vector<1x192xi1> to vector<64x192xi1>
    %broadcast_in_dim3A_423 = vector.broadcast %jit3A_420 : f32 to vector<64x192xf32>
    %select_n3A_424 = arith.select %broadcast_in_dim3A_422, %mul3A_395, %broadcast_in_dim3A_423 : vector<64x192xi1>, vector<64x192xf32>
    %eq3A_425 = arith.constant 1 : i32
    %eq3A_426 = vector.broadcast %eq3A_425 : i32 to vector<1x192xi32>
    %eq3A_427 = arith.cmpi eq, %select_n3A, %eq3A_426 : vector<1x192xi32>
    %jit3A_428 = arith.constant 0.000000e+00 : f32
    %broadcast_in_dim3A_429 = vector.shape_cast %eq3A_427 : vector<1x192xi1> to vector<1x192xi1>
    %broadcast_in_dim3A_430 = vector.broadcast %broadcast_in_dim3A_429 : vector<1x192xi1> to vector<64x192xi1>
    %broadcast_in_dim3A_431 = vector.broadcast %jit3A_428 : f32 to vector<64x192xf32>
    %select_n3A_432 = arith.select %broadcast_in_dim3A_430, %mul3A_395, %broadcast_in_dim3A_431 : vector<64x192xi1>, vector<64x192xf32>
    %eq3A_433 = arith.constant 2 : i32
    %eq3A_434 = vector.broadcast %eq3A_433 : i32 to vector<1x192xi32>
    %eq3A_435 = arith.cmpi eq, %select_n3A, %eq3A_434 : vector<1x192xi32>
    %jit3A_436 = arith.constant 0.000000e+00 : f32
    %broadcast_in_dim3A_437 = vector.shape_cast %eq3A_435 : vector<1x192xi1> to vector<1x192xi1>
    %broadcast_in_dim3A_438 = vector.broadcast %broadcast_in_dim3A_437 : vector<1x192xi1> to vector<64x192xi1>
    %broadcast_in_dim3A_439 = vector.broadcast %jit3A_436 : f32 to vector<64x192xf32>
    %select_n3A_440 = arith.select %broadcast_in_dim3A_438, %mul3A_395, %broadcast_in_dim3A_439 : vector<64x192xi1>, vector<64x192xf32>
    %eq3A_441 = arith.constant 3 : i32
    %eq3A_442 = vector.broadcast %eq3A_441 : i32 to vector<1x192xi32>
    %eq3A_443 = arith.cmpi eq, %select_n3A, %eq3A_442 : vector<1x192xi32>
    %jit3A_444 = arith.constant 0.000000e+00 : f32
    %broadcast_in_dim3A_445 = vector.shape_cast %eq3A_443 : vector<1x192xi1> to vector<1x192xi1>
    %broadcast_in_dim3A_446 = vector.broadcast %broadcast_in_dim3A_445 : vector<1x192xi1> to vector<64x192xi1>
    %broadcast_in_dim3A_447 = vector.broadcast %jit3A_444 : f32 to vector<64x192xf32>
    %select_n3A_448 = arith.select %broadcast_in_dim3A_446, %mul3A_395, %broadcast_in_dim3A_447 : vector<64x192xi1>, vector<64x192xf32>
    %eq3A_449 = arith.constant 4 : i32
    %eq3A_450 = vector.broadcast %eq3A_449 : i32 to vector<1x192xi32>
    %eq3A_451 = arith.cmpi eq, %select_n3A, %eq3A_450 : vector<1x192xi32>
    %jit3A_452 = arith.constant 0.000000e+00 : f32
    %broadcast_in_dim3A_453 = vector.shape_cast %eq3A_451 : vector<1x192xi1> to vector<1x192xi1>
    %broadcast_in_dim3A_454 = vector.broadcast %broadcast_in_dim3A_453 : vector<1x192xi1> to vector<64x192xi1>
    %broadcast_in_dim3A_455 = vector.broadcast %jit3A_452 : f32 to vector<64x192xf32>
    %select_n3A_456 = arith.select %broadcast_in_dim3A_454, %mul3A_395, %broadcast_in_dim3A_455 : vector<64x192xi1>, vector<64x192xf32>
    %eq3A_457 = arith.constant 5 : i32
    %eq3A_458 = vector.broadcast %eq3A_457 : i32 to vector<1x192xi32>
    %eq3A_459 = arith.cmpi eq, %select_n3A, %eq3A_458 : vector<1x192xi32>
    %jit3A_460 = arith.constant 0.000000e+00 : f32
    %broadcast_in_dim3A_461 = vector.shape_cast %eq3A_459 : vector<1x192xi1> to vector<1x192xi1>
    %broadcast_in_dim3A_462 = vector.broadcast %broadcast_in_dim3A_461 : vector<1x192xi1> to vector<64x192xi1>
    %broadcast_in_dim3A_463 = vector.broadcast %jit3A_460 : f32 to vector<64x192xf32>
    %select_n3A_464 = arith.select %broadcast_in_dim3A_462, %mul3A_395, %broadcast_in_dim3A_463 : vector<64x192xi1>, vector<64x192xf32>
    %concatenate3A_465 = tpu.concatenate %select_n3A_424, %select_n3A_432, %select_n3A_440, %select_n3A_448, %select_n3A_456, %select_n3A_464 in 0 : vector<64x192xf32>, vector<64x192xf32>, vector<64x192xf32>, vector<64x192xf32>, vector<64x192xf32>, vector<64x192xf32> -> vector<384x192xf32>
    %dot_general3A_466 = arith.constant dense<0.000000e+00> : vector<384x256xf32>
    %dot_general3A_467 = tpu.matmul %concatenate3A_465, %concatenate3A_416, %dot_general3A_466 {dimension_numbers = #tpu.dot_dimension_numbers<[1], [1], [0], [0], [0, 0, 1, 0], [], []>, transpose_lhs_hint = false} : vector<384x192xf32>, vector<256x192xf32>, vector<384x256xf32> -> vector<384x256xf32>
    %exp3A_468 = math.exp %dot_general3A_467 : vector<384x256xf32>
    %reduce_sum3A_469 = arith.constant dense<0.000000e+00> : vector<384xf32>
    %reduce_sum3A_470 = vector.multi_reduction <add>, %exp3A_468, %reduce_sum3A_469 [1] : vector<384x256xf32> to vector<384xf32>
    %broadcast_in_dim3A_471 = vector.shape_cast %reduce_sum3A_470 : vector<384xf32> to vector<384x1xf32>
    %div3A_472 = arith.constant 1.000000e+00 : f32
    %div3A_473 = vector.broadcast %div3A_472 : f32 to vector<384x1xf32>
    %div3A_474 = arith.divf %div3A_473, %broadcast_in_dim3A_471 : vector<384x1xf32>
    %dot_general3A_475 = arith.constant dense<0.000000e+00> : vector<384x192xf32>
    %dot_general3A_476 = tpu.matmul %exp3A_468, %concatenate3A_416, %dot_general3A_475 {dimension_numbers = #tpu.dot_dimension_numbers<[1], [0], [0], [1], [0, 0, 1, 1], [], []>, transpose_lhs_hint = false} : vector<384x256xf32>, vector<256x192xf32>, vector<384x192xf32> -> vector<384x192xf32>
    %mul3A_477 = vector.broadcast %div3A_474 : vector<384x1xf32> to vector<384x192xf32>
    %mul3A_478 = arith.mulf %dot_general3A_476, %mul3A_477 : vector<384x192xf32>
    %slice3A_479 = vector.extract_strided_slice %mul3A_478 {offsets = [0, 0], sizes = [64, 192], strides = [1, 1]} : vector<384x192xf32> to vector<64x192xf32>
    %eq3A_480 = arith.constant 1 : i32
    %eq3A_481 = vector.broadcast %eq3A_480 : i32 to vector<1x192xi32>
    %eq3A_482 = arith.cmpi eq, %select_n3A, %eq3A_481 : vector<1x192xi32>
    %slice3A_483 = vector.extract_strided_slice %mul3A_478 {offsets = [64, 0], sizes = [64, 192], strides = [1, 1]} : vector<384x192xf32> to vector<64x192xf32>
    %broadcast_in_dim3A_484 = vector.shape_cast %eq3A_482 : vector<1x192xi1> to vector<1x192xi1>
    %broadcast_in_dim3A_485 = vector.broadcast %broadcast_in_dim3A_484 : vector<1x192xi1> to vector<64x192xi1>
    %select_n3A_486 = arith.select %broadcast_in_dim3A_485, %slice3A_483, %slice3A_479 : vector<64x192xi1>, vector<64x192xf32>
    %eq3A_487 = arith.constant 2 : i32
    %eq3A_488 = vector.broadcast %eq3A_487 : i32 to vector<1x192xi32>
    %eq3A_489 = arith.cmpi eq, %select_n3A, %eq3A_488 : vector<1x192xi32>
    %slice3A_490 = vector.extract_strided_slice %mul3A_478 {offsets = [128, 0], sizes = [64, 192], strides = [1, 1]} : vector<384x192xf32> to vector<64x192xf32>
    %broadcast_in_dim3A_491 = vector.shape_cast %eq3A_489 : vector<1x192xi1> to vector<1x192xi1>
    %broadcast_in_dim3A_492 = vector.broadcast %broadcast_in_dim3A_491 : vector<1x192xi1> to vector<64x192xi1>
    %select_n3A_493 = arith.select %broadcast_in_dim3A_492, %slice3A_490, %select_n3A_486 : vector<64x192xi1>, vector<64x192xf32>
    %eq3A_494 = arith.constant 3 : i32
    %eq3A_495 = vector.broadcast %eq3A_494 : i32 to vector<1x192xi32>
    %eq3A_496 = arith.cmpi eq, %select_n3A, %eq3A_495 : vector<1x192xi32>
    %slice3A_497 = vector.extract_strided_slice %mul3A_478 {offsets = [192, 0], sizes = [64, 192], strides = [1, 1]} : vector<384x192xf32> to vector<64x192xf32>
    %broadcast_in_dim3A_498 = vector.shape_cast %eq3A_496 : vector<1x192xi1> to vector<1x192xi1>
    %broadcast_in_dim3A_499 = vector.broadcast %broadcast_in_dim3A_498 : vector<1x192xi1> to vector<64x192xi1>
    %select_n3A_500 = arith.select %broadcast_in_dim3A_499, %slice3A_497, %select_n3A_493 : vector<64x192xi1>, vector<64x192xf32>
    %eq3A_501 = arith.constant 4 : i32
    %eq3A_502 = vector.broadcast %eq3A_501 : i32 to vector<1x192xi32>
    %eq3A_503 = arith.cmpi eq, %select_n3A, %eq3A_502 : vector<1x192xi32>
    %slice3A_504 = vector.extract_strided_slice %mul3A_478 {offsets = [256, 0], sizes = [64, 192], strides = [1, 1]} : vector<384x192xf32> to vector<64x192xf32>
    %broadcast_in_dim3A_505 = vector.shape_cast %eq3A_503 : vector<1x192xi1> to vector<1x192xi1>
    %broadcast_in_dim3A_506 = vector.broadcast %broadcast_in_dim3A_505 : vector<1x192xi1> to vector<64x192xi1>
    %select_n3A_507 = arith.select %broadcast_in_dim3A_506, %slice3A_504, %select_n3A_500 : vector<64x192xi1>, vector<64x192xf32>
    %eq3A_508 = arith.constant 5 : i32
    %eq3A_509 = vector.broadcast %eq3A_508 : i32 to vector<1x192xi32>
    %eq3A_510 = arith.cmpi eq, %select_n3A, %eq3A_509 : vector<1x192xi32>
    %slice3A_511 = vector.extract_strided_slice %mul3A_478 {offsets = [320, 0], sizes = [64, 192], strides = [1, 1]} : vector<384x192xf32> to vector<64x192xf32>
    %broadcast_in_dim3A_512 = vector.shape_cast %eq3A_510 : vector<1x192xi1> to vector<1x192xi1>
    %broadcast_in_dim3A_513 = vector.broadcast %broadcast_in_dim3A_512 : vector<1x192xi1> to vector<64x192xi1>
    %select_n3A_514 = arith.select %broadcast_in_dim3A_513, %slice3A_511, %select_n3A_507 : vector<64x192xi1>, vector<64x192xf32>
    %reshape3A_515 = vector.shape_cast %select_n3A_514 : vector<64x192xf32> to vector<1x64x192xf32>
    %slice3A_516 = vector.extract_strided_slice %get3A_2 {offsets = [4, 0, 0], sizes = [1, 64, 192], strides = [1, 1, 1]} : vector<7x64x192xf32> to vector<1x64x192xf32>
    %squeeze3A_517 = vector.shape_cast %slice3A_516 : vector<1x64x192xf32> to vector<64x192xf32>
    %mul3A_518 = arith.constant 0.0721687824 : f32
    %mul3A_519 = vector.broadcast %mul3A_518 : f32 to vector<64x192xf32>
    %mul3A_520 = arith.mulf %squeeze3A_517, %mul3A_519 : vector<64x192xf32>
    %get3A_521 = arith.constant 0 : index
    %get3A_522 = arith.constant 0 : index
    %get3A_523 = arith.constant 0 : index
    %get3A_524 = vector.load %arg19[%get3A_521, %get3A_522, %get3A_523] : memref<1x64x192xf32, #tpu.memory_space<vmem>>, vector<1x64x192xf32>
    %reshape3A_525 = vector.shape_cast %get3A_524 : vector<1x64x192xf32> to vector<64x192xf32>
    %get3A_526 = arith.constant 0 : index
    %get3A_527 = arith.constant 0 : index
    %get3A_528 = arith.constant 0 : index
    %get3A_529 = vector.load %arg20[%get3A_526, %get3A_527, %get3A_528] : memref<1x64x192xf32, #tpu.memory_space<vmem>>, vector<1x64x192xf32>
    %reshape3A_530 = vector.shape_cast %get3A_529 : vector<1x64x192xf32> to vector<64x192xf32>
    %get3A_531 = arith.constant 0 : index
    %get3A_532 = arith.constant 0 : index
    %get3A_533 = arith.constant 0 : index
    %get3A_534 = vector.load %arg21[%get3A_531, %get3A_532, %get3A_533] : memref<1x64x192xf32, #tpu.memory_space<vmem>>, vector<1x64x192xf32>
    %reshape3A_535 = vector.shape_cast %get3A_534 : vector<1x64x192xf32> to vector<64x192xf32>
    %get3A_536 = arith.constant 0 : index
    %get3A_537 = arith.constant 0 : index
    %get3A_538 = arith.constant 0 : index
    %get3A_539 = vector.load %arg22[%get3A_536, %get3A_537, %get3A_538] : memref<1x64x192xf32, #tpu.memory_space<vmem>>, vector<1x64x192xf32>
    %reshape3A_540 = vector.shape_cast %get3A_539 : vector<1x64x192xf32> to vector<64x192xf32>
    %concatenate3A_541 = tpu.concatenate %reshape3A_525, %reshape3A_530, %reshape3A_535, %reshape3A_540 in 0 : vector<64x192xf32>, vector<64x192xf32>, vector<64x192xf32>, vector<64x192xf32> -> vector<256x192xf32>
    %eq3A_542 = arith.constant 0 : i32
    %eq3A_543 = vector.broadcast %eq3A_542 : i32 to vector<1x192xi32>
    %eq3A_544 = arith.cmpi eq, %select_n3A, %eq3A_543 : vector<1x192xi32>
    %jit3A_545 = arith.constant 0.000000e+00 : f32
    %broadcast_in_dim3A_546 = vector.shape_cast %eq3A_544 : vector<1x192xi1> to vector<1x192xi1>
    %broadcast_in_dim3A_547 = vector.broadcast %broadcast_in_dim3A_546 : vector<1x192xi1> to vector<64x192xi1>
    %broadcast_in_dim3A_548 = vector.broadcast %jit3A_545 : f32 to vector<64x192xf32>
    %select_n3A_549 = arith.select %broadcast_in_dim3A_547, %mul3A_520, %broadcast_in_dim3A_548 : vector<64x192xi1>, vector<64x192xf32>
    %eq3A_550 = arith.constant 1 : i32
    %eq3A_551 = vector.broadcast %eq3A_550 : i32 to vector<1x192xi32>
    %eq3A_552 = arith.cmpi eq, %select_n3A, %eq3A_551 : vector<1x192xi32>
    %jit3A_553 = arith.constant 0.000000e+00 : f32
    %broadcast_in_dim3A_554 = vector.shape_cast %eq3A_552 : vector<1x192xi1> to vector<1x192xi1>
    %broadcast_in_dim3A_555 = vector.broadcast %broadcast_in_dim3A_554 : vector<1x192xi1> to vector<64x192xi1>
    %broadcast_in_dim3A_556 = vector.broadcast %jit3A_553 : f32 to vector<64x192xf32>
    %select_n3A_557 = arith.select %broadcast_in_dim3A_555, %mul3A_520, %broadcast_in_dim3A_556 : vector<64x192xi1>, vector<64x192xf32>
    %eq3A_558 = arith.constant 2 : i32
    %eq3A_559 = vector.broadcast %eq3A_558 : i32 to vector<1x192xi32>
    %eq3A_560 = arith.cmpi eq, %select_n3A, %eq3A_559 : vector<1x192xi32>
    %jit3A_561 = arith.constant 0.000000e+00 : f32
    %broadcast_in_dim3A_562 = vector.shape_cast %eq3A_560 : vector<1x192xi1> to vector<1x192xi1>
    %broadcast_in_dim3A_563 = vector.broadcast %broadcast_in_dim3A_562 : vector<1x192xi1> to vector<64x192xi1>
    %broadcast_in_dim3A_564 = vector.broadcast %jit3A_561 : f32 to vector<64x192xf32>
    %select_n3A_565 = arith.select %broadcast_in_dim3A_563, %mul3A_520, %broadcast_in_dim3A_564 : vector<64x192xi1>, vector<64x192xf32>
    %eq3A_566 = arith.constant 3 : i32
    %eq3A_567 = vector.broadcast %eq3A_566 : i32 to vector<1x192xi32>
    %eq3A_568 = arith.cmpi eq, %select_n3A, %eq3A_567 : vector<1x192xi32>
    %jit3A_569 = arith.constant 0.000000e+00 : f32
    %broadcast_in_dim3A_570 = vector.shape_cast %eq3A_568 : vector<1x192xi1> to vector<1x192xi1>
    %broadcast_in_dim3A_571 = vector.broadcast %broadcast_in_dim3A_570 : vector<1x192xi1> to vector<64x192xi1>
    %broadcast_in_dim3A_572 = vector.broadcast %jit3A_569 : f32 to vector<64x192xf32>
    %select_n3A_573 = arith.select %broadcast_in_dim3A_571, %mul3A_520, %broadcast_in_dim3A_572 : vector<64x192xi1>, vector<64x192xf32>
    %eq3A_574 = arith.constant 4 : i32
    %eq3A_575 = vector.broadcast %eq3A_574 : i32 to vector<1x192xi32>
    %eq3A_576 = arith.cmpi eq, %select_n3A, %eq3A_575 : vector<1x192xi32>
    %jit3A_577 = arith.constant 0.000000e+00 : f32
    %broadcast_in_dim3A_578 = vector.shape_cast %eq3A_576 : vector<1x192xi1> to vector<1x192xi1>
    %broadcast_in_dim3A_579 = vector.broadcast %broadcast_in_dim3A_578 : vector<1x192xi1> to vector<64x192xi1>
    %broadcast_in_dim3A_580 = vector.broadcast %jit3A_577 : f32 to vector<64x192xf32>
    %select_n3A_581 = arith.select %broadcast_in_dim3A_579, %mul3A_520, %broadcast_in_dim3A_580 : vector<64x192xi1>, vector<64x192xf32>
    %eq3A_582 = arith.constant 5 : i32
    %eq3A_583 = vector.broadcast %eq3A_582 : i32 to vector<1x192xi32>
    %eq3A_584 = arith.cmpi eq, %select_n3A, %eq3A_583 : vector<1x192xi32>
    %jit3A_585 = arith.constant 0.000000e+00 : f32
    %broadcast_in_dim3A_586 = vector.shape_cast %eq3A_584 : vector<1x192xi1> to vector<1x192xi1>
    %broadcast_in_dim3A_587 = vector.broadcast %broadcast_in_dim3A_586 : vector<1x192xi1> to vector<64x192xi1>
    %broadcast_in_dim3A_588 = vector.broadcast %jit3A_585 : f32 to vector<64x192xf32>
    %select_n3A_589 = arith.select %broadcast_in_dim3A_587, %mul3A_520, %broadcast_in_dim3A_588 : vector<64x192xi1>, vector<64x192xf32>
    %concatenate3A_590 = tpu.concatenate %select_n3A_549, %select_n3A_557, %select_n3A_565, %select_n3A_573, %select_n3A_581, %select_n3A_589 in 0 : vector<64x192xf32>, vector<64x192xf32>, vector<64x192xf32>, vector<64x192xf32>, vector<64x192xf32>, vector<64x192xf32> -> vector<384x192xf32>
    %dot_general3A_591 = arith.constant dense<0.000000e+00> : vector<384x256xf32>
    %dot_general3A_592 = tpu.matmul %concatenate3A_590, %concatenate3A_541, %dot_general3A_591 {dimension_numbers = #tpu.dot_dimension_numbers<[1], [1], [0], [0], [0, 0, 1, 0], [], []>, transpose_lhs_hint = false} : vector<384x192xf32>, vector<256x192xf32>, vector<384x256xf32> -> vector<384x256xf32>
    %exp3A_593 = math.exp %dot_general3A_592 : vector<384x256xf32>
    %reduce_sum3A_594 = arith.constant dense<0.000000e+00> : vector<384xf32>
    %reduce_sum3A_595 = vector.multi_reduction <add>, %exp3A_593, %reduce_sum3A_594 [1] : vector<384x256xf32> to vector<384xf32>
    %broadcast_in_dim3A_596 = vector.shape_cast %reduce_sum3A_595 : vector<384xf32> to vector<384x1xf32>
    %div3A_597 = arith.constant 1.000000e+00 : f32
    %div3A_598 = vector.broadcast %div3A_597 : f32 to vector<384x1xf32>
    %div3A_599 = arith.divf %div3A_598, %broadcast_in_dim3A_596 : vector<384x1xf32>
    %dot_general3A_600 = arith.constant dense<0.000000e+00> : vector<384x192xf32>
    %dot_general3A_601 = tpu.matmul %exp3A_593, %concatenate3A_541, %dot_general3A_600 {dimension_numbers = #tpu.dot_dimension_numbers<[1], [0], [0], [1], [0, 0, 1, 1], [], []>, transpose_lhs_hint = false} : vector<384x256xf32>, vector<256x192xf32>, vector<384x192xf32> -> vector<384x192xf32>
    %mul3A_602 = vector.broadcast %div3A_599 : vector<384x1xf32> to vector<384x192xf32>
    %mul3A_603 = arith.mulf %dot_general3A_601, %mul3A_602 : vector<384x192xf32>
    %slice3A_604 = vector.extract_strided_slice %mul3A_603 {offsets = [0, 0], sizes = [64, 192], strides = [1, 1]} : vector<384x192xf32> to vector<64x192xf32>
    %eq3A_605 = arith.constant 1 : i32
    %eq3A_606 = vector.broadcast %eq3A_605 : i32 to vector<1x192xi32>
    %eq3A_607 = arith.cmpi eq, %select_n3A, %eq3A_606 : vector<1x192xi32>
    %slice3A_608 = vector.extract_strided_slice %mul3A_603 {offsets = [64, 0], sizes = [64, 192], strides = [1, 1]} : vector<384x192xf32> to vector<64x192xf32>
    %broadcast_in_dim3A_609 = vector.shape_cast %eq3A_607 : vector<1x192xi1> to vector<1x192xi1>
    %broadcast_in_dim3A_610 = vector.broadcast %broadcast_in_dim3A_609 : vector<1x192xi1> to vector<64x192xi1>
    %select_n3A_611 = arith.select %broadcast_in_dim3A_610, %slice3A_608, %slice3A_604 : vector<64x192xi1>, vector<64x192xf32>
    %eq3A_612 = arith.constant 2 : i32
    %eq3A_613 = vector.broadcast %eq3A_612 : i32 to vector<1x192xi32>
    %eq3A_614 = arith.cmpi eq, %select_n3A, %eq3A_613 : vector<1x192xi32>
    %slice3A_615 = vector.extract_strided_slice %mul3A_603 {offsets = [128, 0], sizes = [64, 192], strides = [1, 1]} : vector<384x192xf32> to vector<64x192xf32>
    %broadcast_in_dim3A_616 = vector.shape_cast %eq3A_614 : vector<1x192xi1> to vector<1x192xi1>
    %broadcast_in_dim3A_617 = vector.broadcast %broadcast_in_dim3A_616 : vector<1x192xi1> to vector<64x192xi1>
    %select_n3A_618 = arith.select %broadcast_in_dim3A_617, %slice3A_615, %select_n3A_611 : vector<64x192xi1>, vector<64x192xf32>
    %eq3A_619 = arith.constant 3 : i32
    %eq3A_620 = vector.broadcast %eq3A_619 : i32 to vector<1x192xi32>
    %eq3A_621 = arith.cmpi eq, %select_n3A, %eq3A_620 : vector<1x192xi32>
    %slice3A_622 = vector.extract_strided_slice %mul3A_603 {offsets = [192, 0], sizes = [64, 192], strides = [1, 1]} : vector<384x192xf32> to vector<64x192xf32>
    %broadcast_in_dim3A_623 = vector.shape_cast %eq3A_621 : vector<1x192xi1> to vector<1x192xi1>
    %broadcast_in_dim3A_624 = vector.broadcast %broadcast_in_dim3A_623 : vector<1x192xi1> to vector<64x192xi1>
    %select_n3A_625 = arith.select %broadcast_in_dim3A_624, %slice3A_622, %select_n3A_618 : vector<64x192xi1>, vector<64x192xf32>
    %eq3A_626 = arith.constant 4 : i32
    %eq3A_627 = vector.broadcast %eq3A_626 : i32 to vector<1x192xi32>
    %eq3A_628 = arith.cmpi eq, %select_n3A, %eq3A_627 : vector<1x192xi32>
    %slice3A_629 = vector.extract_strided_slice %mul3A_603 {offsets = [256, 0], sizes = [64, 192], strides = [1, 1]} : vector<384x192xf32> to vector<64x192xf32>
    %broadcast_in_dim3A_630 = vector.shape_cast %eq3A_628 : vector<1x192xi1> to vector<1x192xi1>
    %broadcast_in_dim3A_631 = vector.broadcast %broadcast_in_dim3A_630 : vector<1x192xi1> to vector<64x192xi1>
    %select_n3A_632 = arith.select %broadcast_in_dim3A_631, %slice3A_629, %select_n3A_625 : vector<64x192xi1>, vector<64x192xf32>
    %eq3A_633 = arith.constant 5 : i32
    %eq3A_634 = vector.broadcast %eq3A_633 : i32 to vector<1x192xi32>
    %eq3A_635 = arith.cmpi eq, %select_n3A, %eq3A_634 : vector<1x192xi32>
    %slice3A_636 = vector.extract_strided_slice %mul3A_603 {offsets = [320, 0], sizes = [64, 192], strides = [1, 1]} : vector<384x192xf32> to vector<64x192xf32>
    %broadcast_in_dim3A_637 = vector.shape_cast %eq3A_635 : vector<1x192xi1> to vector<1x192xi1>
    %broadcast_in_dim3A_638 = vector.broadcast %broadcast_in_dim3A_637 : vector<1x192xi1> to vector<64x192xi1>
    %select_n3A_639 = arith.select %broadcast_in_dim3A_638, %slice3A_636, %select_n3A_632 : vector<64x192xi1>, vector<64x192xf32>
    %reshape3A_640 = vector.shape_cast %select_n3A_639 : vector<64x192xf32> to vector<1x64x192xf32>
    %slice3A_641 = vector.extract_strided_slice %get3A_2 {offsets = [5, 0, 0], sizes = [1, 64, 192], strides = [1, 1, 1]} : vector<7x64x192xf32> to vector<1x64x192xf32>
    %squeeze3A_642 = vector.shape_cast %slice3A_641 : vector<1x64x192xf32> to vector<64x192xf32>
    %mul3A_643 = arith.constant 0.0721687824 : f32
    %mul3A_644 = vector.broadcast %mul3A_643 : f32 to vector<64x192xf32>
    %mul3A_645 = arith.mulf %squeeze3A_642, %mul3A_644 : vector<64x192xf32>
    %get3A_646 = arith.constant 0 : index
    %get3A_647 = arith.constant 0 : index
    %get3A_648 = arith.constant 0 : index
    %get3A_649 = vector.load %arg23[%get3A_646, %get3A_647, %get3A_648] : memref<1x64x192xf32, #tpu.memory_space<vmem>>, vector<1x64x192xf32>
    %reshape3A_650 = vector.shape_cast %get3A_649 : vector<1x64x192xf32> to vector<64x192xf32>
    %get3A_651 = arith.constant 0 : index
    %get3A_652 = arith.constant 0 : index
    %get3A_653 = arith.constant 0 : index
    %get3A_654 = vector.load %arg24[%get3A_651, %get3A_652, %get3A_653] : memref<1x64x192xf32, #tpu.memory_space<vmem>>, vector<1x64x192xf32>
    %reshape3A_655 = vector.shape_cast %get3A_654 : vector<1x64x192xf32> to vector<64x192xf32>
    %get3A_656 = arith.constant 0 : index
    %get3A_657 = arith.constant 0 : index
    %get3A_658 = arith.constant 0 : index
    %get3A_659 = vector.load %arg25[%get3A_656, %get3A_657, %get3A_658] : memref<1x64x192xf32, #tpu.memory_space<vmem>>, vector<1x64x192xf32>
    %reshape3A_660 = vector.shape_cast %get3A_659 : vector<1x64x192xf32> to vector<64x192xf32>
    %get3A_661 = arith.constant 0 : index
    %get3A_662 = arith.constant 0 : index
    %get3A_663 = arith.constant 0 : index
    %get3A_664 = vector.load %arg26[%get3A_661, %get3A_662, %get3A_663] : memref<1x64x192xf32, #tpu.memory_space<vmem>>, vector<1x64x192xf32>
    %reshape3A_665 = vector.shape_cast %get3A_664 : vector<1x64x192xf32> to vector<64x192xf32>
    %concatenate3A_666 = tpu.concatenate %reshape3A_650, %reshape3A_655, %reshape3A_660, %reshape3A_665 in 0 : vector<64x192xf32>, vector<64x192xf32>, vector<64x192xf32>, vector<64x192xf32> -> vector<256x192xf32>
    %eq3A_667 = arith.constant 0 : i32
    %eq3A_668 = vector.broadcast %eq3A_667 : i32 to vector<1x192xi32>
    %eq3A_669 = arith.cmpi eq, %select_n3A, %eq3A_668 : vector<1x192xi32>
    %jit3A_670 = arith.constant 0.000000e+00 : f32
    %broadcast_in_dim3A_671 = vector.shape_cast %eq3A_669 : vector<1x192xi1> to vector<1x192xi1>
    %broadcast_in_dim3A_672 = vector.broadcast %broadcast_in_dim3A_671 : vector<1x192xi1> to vector<64x192xi1>
    %broadcast_in_dim3A_673 = vector.broadcast %jit3A_670 : f32 to vector<64x192xf32>
    %select_n3A_674 = arith.select %broadcast_in_dim3A_672, %mul3A_645, %broadcast_in_dim3A_673 : vector<64x192xi1>, vector<64x192xf32>
    %eq3A_675 = arith.constant 1 : i32
    %eq3A_676 = vector.broadcast %eq3A_675 : i32 to vector<1x192xi32>
    %eq3A_677 = arith.cmpi eq, %select_n3A, %eq3A_676 : vector<1x192xi32>
    %jit3A_678 = arith.constant 0.000000e+00 : f32
    %broadcast_in_dim3A_679 = vector.shape_cast %eq3A_677 : vector<1x192xi1> to vector<1x192xi1>
    %broadcast_in_dim3A_680 = vector.broadcast %broadcast_in_dim3A_679 : vector<1x192xi1> to vector<64x192xi1>
    %broadcast_in_dim3A_681 = vector.broadcast %jit3A_678 : f32 to vector<64x192xf32>
    %select_n3A_682 = arith.select %broadcast_in_dim3A_680, %mul3A_645, %broadcast_in_dim3A_681 : vector<64x192xi1>, vector<64x192xf32>
    %eq3A_683 = arith.constant 2 : i32
    %eq3A_684 = vector.broadcast %eq3A_683 : i32 to vector<1x192xi32>
    %eq3A_685 = arith.cmpi eq, %select_n3A, %eq3A_684 : vector<1x192xi32>
    %jit3A_686 = arith.constant 0.000000e+00 : f32
    %broadcast_in_dim3A_687 = vector.shape_cast %eq3A_685 : vector<1x192xi1> to vector<1x192xi1>
    %broadcast_in_dim3A_688 = vector.broadcast %broadcast_in_dim3A_687 : vector<1x192xi1> to vector<64x192xi1>
    %broadcast_in_dim3A_689 = vector.broadcast %jit3A_686 : f32 to vector<64x192xf32>
    %select_n3A_690 = arith.select %broadcast_in_dim3A_688, %mul3A_645, %broadcast_in_dim3A_689 : vector<64x192xi1>, vector<64x192xf32>
    %eq3A_691 = arith.constant 3 : i32
    %eq3A_692 = vector.broadcast %eq3A_691 : i32 to vector<1x192xi32>
    %eq3A_693 = arith.cmpi eq, %select_n3A, %eq3A_692 : vector<1x192xi32>
    %jit3A_694 = arith.constant 0.000000e+00 : f32
    %broadcast_in_dim3A_695 = vector.shape_cast %eq3A_693 : vector<1x192xi1> to vector<1x192xi1>
    %broadcast_in_dim3A_696 = vector.broadcast %broadcast_in_dim3A_695 : vector<1x192xi1> to vector<64x192xi1>
    %broadcast_in_dim3A_697 = vector.broadcast %jit3A_694 : f32 to vector<64x192xf32>
    %select_n3A_698 = arith.select %broadcast_in_dim3A_696, %mul3A_645, %broadcast_in_dim3A_697 : vector<64x192xi1>, vector<64x192xf32>
    %eq3A_699 = arith.constant 4 : i32
    %eq3A_700 = vector.broadcast %eq3A_699 : i32 to vector<1x192xi32>
    %eq3A_701 = arith.cmpi eq, %select_n3A, %eq3A_700 : vector<1x192xi32>
    %jit3A_702 = arith.constant 0.000000e+00 : f32
    %broadcast_in_dim3A_703 = vector.shape_cast %eq3A_701 : vector<1x192xi1> to vector<1x192xi1>
    %broadcast_in_dim3A_704 = vector.broadcast %broadcast_in_dim3A_703 : vector<1x192xi1> to vector<64x192xi1>
    %broadcast_in_dim3A_705 = vector.broadcast %jit3A_702 : f32 to vector<64x192xf32>
    %select_n3A_706 = arith.select %broadcast_in_dim3A_704, %mul3A_645, %broadcast_in_dim3A_705 : vector<64x192xi1>, vector<64x192xf32>
    %eq3A_707 = arith.constant 5 : i32
    %eq3A_708 = vector.broadcast %eq3A_707 : i32 to vector<1x192xi32>
    %eq3A_709 = arith.cmpi eq, %select_n3A, %eq3A_708 : vector<1x192xi32>
    %jit3A_710 = arith.constant 0.000000e+00 : f32
    %broadcast_in_dim3A_711 = vector.shape_cast %eq3A_709 : vector<1x192xi1> to vector<1x192xi1>
    %broadcast_in_dim3A_712 = vector.broadcast %broadcast_in_dim3A_711 : vector<1x192xi1> to vector<64x192xi1>
    %broadcast_in_dim3A_713 = vector.broadcast %jit3A_710 : f32 to vector<64x192xf32>
    %select_n3A_714 = arith.select %broadcast_in_dim3A_712, %mul3A_645, %broadcast_in_dim3A_713 : vector<64x192xi1>, vector<64x192xf32>
    %concatenate3A_715 = tpu.concatenate %select_n3A_674, %select_n3A_682, %select_n3A_690, %select_n3A_698, %select_n3A_706, %select_n3A_714 in 0 : vector<64x192xf32>, vector<64x192xf32>, vector<64x192xf32>, vector<64x192xf32>, vector<64x192xf32>, vector<64x192xf32> -> vector<384x192xf32>
    %dot_general3A_716 = arith.constant dense<0.000000e+00> : vector<384x256xf32>
    %dot_general3A_717 = tpu.matmul %concatenate3A_715, %concatenate3A_666, %dot_general3A_716 {dimension_numbers = #tpu.dot_dimension_numbers<[1], [1], [0], [0], [0, 0, 1, 0], [], []>, transpose_lhs_hint = false} : vector<384x192xf32>, vector<256x192xf32>, vector<384x256xf32> -> vector<384x256xf32>
    %exp3A_718 = math.exp %dot_general3A_717 : vector<384x256xf32>
    %reduce_sum3A_719 = arith.constant dense<0.000000e+00> : vector<384xf32>
    %reduce_sum3A_720 = vector.multi_reduction <add>, %exp3A_718, %reduce_sum3A_719 [1] : vector<384x256xf32> to vector<384xf32>
    %broadcast_in_dim3A_721 = vector.shape_cast %reduce_sum3A_720 : vector<384xf32> to vector<384x1xf32>
    %div3A_722 = arith.constant 1.000000e+00 : f32
    %div3A_723 = vector.broadcast %div3A_722 : f32 to vector<384x1xf32>
    %div3A_724 = arith.divf %div3A_723, %broadcast_in_dim3A_721 : vector<384x1xf32>
    %dot_general3A_725 = arith.constant dense<0.000000e+00> : vector<384x192xf32>
    %dot_general3A_726 = tpu.matmul %exp3A_718, %concatenate3A_666, %dot_general3A_725 {dimension_numbers = #tpu.dot_dimension_numbers<[1], [0], [0], [1], [0, 0, 1, 1], [], []>, transpose_lhs_hint = false} : vector<384x256xf32>, vector<256x192xf32>, vector<384x192xf32> -> vector<384x192xf32>
    %mul3A_727 = vector.broadcast %div3A_724 : vector<384x1xf32> to vector<384x192xf32>
    %mul3A_728 = arith.mulf %dot_general3A_726, %mul3A_727 : vector<384x192xf32>
    %slice3A_729 = vector.extract_strided_slice %mul3A_728 {offsets = [0, 0], sizes = [64, 192], strides = [1, 1]} : vector<384x192xf32> to vector<64x192xf32>
    %eq3A_730 = arith.constant 1 : i32
    %eq3A_731 = vector.broadcast %eq3A_730 : i32 to vector<1x192xi32>
    %eq3A_732 = arith.cmpi eq, %select_n3A, %eq3A_731 : vector<1x192xi32>
    %slice3A_733 = vector.extract_strided_slice %mul3A_728 {offsets = [64, 0], sizes = [64, 192], strides = [1, 1]} : vector<384x192xf32> to vector<64x192xf32>
    %broadcast_in_dim3A_734 = vector.shape_cast %eq3A_732 : vector<1x192xi1> to vector<1x192xi1>
    %broadcast_in_dim3A_735 = vector.broadcast %broadcast_in_dim3A_734 : vector<1x192xi1> to vector<64x192xi1>
    %select_n3A_736 = arith.select %broadcast_in_dim3A_735, %slice3A_733, %slice3A_729 : vector<64x192xi1>, vector<64x192xf32>
    %eq3A_737 = arith.constant 2 : i32
    %eq3A_738 = vector.broadcast %eq3A_737 : i32 to vector<1x192xi32>
    %eq3A_739 = arith.cmpi eq, %select_n3A, %eq3A_738 : vector<1x192xi32>
    %slice3A_740 = vector.extract_strided_slice %mul3A_728 {offsets = [128, 0], sizes = [64, 192], strides = [1, 1]} : vector<384x192xf32> to vector<64x192xf32>
    %broadcast_in_dim3A_741 = vector.shape_cast %eq3A_739 : vector<1x192xi1> to vector<1x192xi1>
    %broadcast_in_dim3A_742 = vector.broadcast %broadcast_in_dim3A_741 : vector<1x192xi1> to vector<64x192xi1>
    %select_n3A_743 = arith.select %broadcast_in_dim3A_742, %slice3A_740, %select_n3A_736 : vector<64x192xi1>, vector<64x192xf32>
    %eq3A_744 = arith.constant 3 : i32
    %eq3A_745 = vector.broadcast %eq3A_744 : i32 to vector<1x192xi32>
    %eq3A_746 = arith.cmpi eq, %select_n3A, %eq3A_745 : vector<1x192xi32>
    %slice3A_747 = vector.extract_strided_slice %mul3A_728 {offsets = [192, 0], sizes = [64, 192], strides = [1, 1]} : vector<384x192xf32> to vector<64x192xf32>
    %broadcast_in_dim3A_748 = vector.shape_cast %eq3A_746 : vector<1x192xi1> to vector<1x192xi1>
    %broadcast_in_dim3A_749 = vector.broadcast %broadcast_in_dim3A_748 : vector<1x192xi1> to vector<64x192xi1>
    %select_n3A_750 = arith.select %broadcast_in_dim3A_749, %slice3A_747, %select_n3A_743 : vector<64x192xi1>, vector<64x192xf32>
    %eq3A_751 = arith.constant 4 : i32
    %eq3A_752 = vector.broadcast %eq3A_751 : i32 to vector<1x192xi32>
    %eq3A_753 = arith.cmpi eq, %select_n3A, %eq3A_752 : vector<1x192xi32>
    %slice3A_754 = vector.extract_strided_slice %mul3A_728 {offsets = [256, 0], sizes = [64, 192], strides = [1, 1]} : vector<384x192xf32> to vector<64x192xf32>
    %broadcast_in_dim3A_755 = vector.shape_cast %eq3A_753 : vector<1x192xi1> to vector<1x192xi1>
    %broadcast_in_dim3A_756 = vector.broadcast %broadcast_in_dim3A_755 : vector<1x192xi1> to vector<64x192xi1>
    %select_n3A_757 = arith.select %broadcast_in_dim3A_756, %slice3A_754, %select_n3A_750 : vector<64x192xi1>, vector<64x192xf32>
    %eq3A_758 = arith.constant 5 : i32
    %eq3A_759 = vector.broadcast %eq3A_758 : i32 to vector<1x192xi32>
    %eq3A_760 = arith.cmpi eq, %select_n3A, %eq3A_759 : vector<1x192xi32>
    %slice3A_761 = vector.extract_strided_slice %mul3A_728 {offsets = [320, 0], sizes = [64, 192], strides = [1, 1]} : vector<384x192xf32> to vector<64x192xf32>
    %broadcast_in_dim3A_762 = vector.shape_cast %eq3A_760 : vector<1x192xi1> to vector<1x192xi1>
    %broadcast_in_dim3A_763 = vector.broadcast %broadcast_in_dim3A_762 : vector<1x192xi1> to vector<64x192xi1>
    %select_n3A_764 = arith.select %broadcast_in_dim3A_763, %slice3A_761, %select_n3A_757 : vector<64x192xi1>, vector<64x192xf32>
    %reshape3A_765 = vector.shape_cast %select_n3A_764 : vector<64x192xf32> to vector<1x64x192xf32>
    %slice3A_766 = vector.extract_strided_slice %get3A_2 {offsets = [6, 0, 0], sizes = [1, 64, 192], strides = [1, 1, 1]} : vector<7x64x192xf32> to vector<1x64x192xf32>
    %squeeze3A_767 = vector.shape_cast %slice3A_766 : vector<1x64x192xf32> to vector<64x192xf32>
    %mul3A_768 = arith.constant 0.0721687824 : f32
    %mul3A_769 = vector.broadcast %mul3A_768 : f32 to vector<64x192xf32>
    %mul3A_770 = arith.mulf %squeeze3A_767, %mul3A_769 : vector<64x192xf32>
    %get3A_771 = arith.constant 0 : index
    %get3A_772 = arith.constant 0 : index
    %get3A_773 = arith.constant 0 : index
    %get3A_774 = vector.load %arg27[%get3A_771, %get3A_772, %get3A_773] : memref<1x64x192xf32, #tpu.memory_space<vmem>>, vector<1x64x192xf32>
    %reshape3A_775 = vector.shape_cast %get3A_774 : vector<1x64x192xf32> to vector<64x192xf32>
    %get3A_776 = arith.constant 0 : index
    %get3A_777 = arith.constant 0 : index
    %get3A_778 = arith.constant 0 : index
    %get3A_779 = vector.load %arg28[%get3A_776, %get3A_777, %get3A_778] : memref<1x64x192xf32, #tpu.memory_space<vmem>>, vector<1x64x192xf32>
    %reshape3A_780 = vector.shape_cast %get3A_779 : vector<1x64x192xf32> to vector<64x192xf32>
    %get3A_781 = arith.constant 0 : index
    %get3A_782 = arith.constant 0 : index
    %get3A_783 = arith.constant 0 : index
    %get3A_784 = vector.load %arg29[%get3A_781, %get3A_782, %get3A_783] : memref<1x64x192xf32, #tpu.memory_space<vmem>>, vector<1x64x192xf32>
    %reshape3A_785 = vector.shape_cast %get3A_784 : vector<1x64x192xf32> to vector<64x192xf32>
    %get3A_786 = arith.constant 0 : index
    %get3A_787 = arith.constant 0 : index
    %get3A_788 = arith.constant 0 : index
    %get3A_789 = vector.load %arg30[%get3A_786, %get3A_787, %get3A_788] : memref<1x64x192xf32, #tpu.memory_space<vmem>>, vector<1x64x192xf32>
    %reshape3A_790 = vector.shape_cast %get3A_789 : vector<1x64x192xf32> to vector<64x192xf32>
    %concatenate3A_791 = tpu.concatenate %reshape3A_775, %reshape3A_780, %reshape3A_785, %reshape3A_790 in 0 : vector<64x192xf32>, vector<64x192xf32>, vector<64x192xf32>, vector<64x192xf32> -> vector<256x192xf32>
    %eq3A_792 = arith.constant 0 : i32
    %eq3A_793 = vector.broadcast %eq3A_792 : i32 to vector<1x192xi32>
    %eq3A_794 = arith.cmpi eq, %select_n3A, %eq3A_793 : vector<1x192xi32>
    %jit3A_795 = arith.constant 0.000000e+00 : f32
    %broadcast_in_dim3A_796 = vector.shape_cast %eq3A_794 : vector<1x192xi1> to vector<1x192xi1>
    %broadcast_in_dim3A_797 = vector.broadcast %broadcast_in_dim3A_796 : vector<1x192xi1> to vector<64x192xi1>
    %broadcast_in_dim3A_798 = vector.broadcast %jit3A_795 : f32 to vector<64x192xf32>
    %select_n3A_799 = arith.select %broadcast_in_dim3A_797, %mul3A_770, %broadcast_in_dim3A_798 : vector<64x192xi1>, vector<64x192xf32>
    %eq3A_800 = arith.constant 1 : i32
    %eq3A_801 = vector.broadcast %eq3A_800 : i32 to vector<1x192xi32>
    %eq3A_802 = arith.cmpi eq, %select_n3A, %eq3A_801 : vector<1x192xi32>
    %jit3A_803 = arith.constant 0.000000e+00 : f32
    %broadcast_in_dim3A_804 = vector.shape_cast %eq3A_802 : vector<1x192xi1> to vector<1x192xi1>
    %broadcast_in_dim3A_805 = vector.broadcast %broadcast_in_dim3A_804 : vector<1x192xi1> to vector<64x192xi1>
    %broadcast_in_dim3A_806 = vector.broadcast %jit3A_803 : f32 to vector<64x192xf32>
    %select_n3A_807 = arith.select %broadcast_in_dim3A_805, %mul3A_770, %broadcast_in_dim3A_806 : vector<64x192xi1>, vector<64x192xf32>
    %eq3A_808 = arith.constant 2 : i32
    %eq3A_809 = vector.broadcast %eq3A_808 : i32 to vector<1x192xi32>
    %eq3A_810 = arith.cmpi eq, %select_n3A, %eq3A_809 : vector<1x192xi32>
    %jit3A_811 = arith.constant 0.000000e+00 : f32
    %broadcast_in_dim3A_812 = vector.shape_cast %eq3A_810 : vector<1x192xi1> to vector<1x192xi1>
    %broadcast_in_dim3A_813 = vector.broadcast %broadcast_in_dim3A_812 : vector<1x192xi1> to vector<64x192xi1>
    %broadcast_in_dim3A_814 = vector.broadcast %jit3A_811 : f32 to vector<64x192xf32>
    %select_n3A_815 = arith.select %broadcast_in_dim3A_813, %mul3A_770, %broadcast_in_dim3A_814 : vector<64x192xi1>, vector<64x192xf32>
    %eq3A_816 = arith.constant 3 : i32
    %eq3A_817 = vector.broadcast %eq3A_816 : i32 to vector<1x192xi32>
    %eq3A_818 = arith.cmpi eq, %select_n3A, %eq3A_817 : vector<1x192xi32>
    %jit3A_819 = arith.constant 0.000000e+00 : f32
    %broadcast_in_dim3A_820 = vector.shape_cast %eq3A_818 : vector<1x192xi1> to vector<1x192xi1>
    %broadcast_in_dim3A_821 = vector.broadcast %broadcast_in_dim3A_820 : vector<1x192xi1> to vector<64x192xi1>
    %broadcast_in_dim3A_822 = vector.broadcast %jit3A_819 : f32 to vector<64x192xf32>
    %select_n3A_823 = arith.select %broadcast_in_dim3A_821, %mul3A_770, %broadcast_in_dim3A_822 : vector<64x192xi1>, vector<64x192xf32>
    %eq3A_824 = arith.constant 4 : i32
    %eq3A_825 = vector.broadcast %eq3A_824 : i32 to vector<1x192xi32>
    %eq3A_826 = arith.cmpi eq, %select_n3A, %eq3A_825 : vector<1x192xi32>
    %jit3A_827 = arith.constant 0.000000e+00 : f32
    %broadcast_in_dim3A_828 = vector.shape_cast %eq3A_826 : vector<1x192xi1> to vector<1x192xi1>
    %broadcast_in_dim3A_829 = vector.broadcast %broadcast_in_dim3A_828 : vector<1x192xi1> to vector<64x192xi1>
    %broadcast_in_dim3A_830 = vector.broadcast %jit3A_827 : f32 to vector<64x192xf32>
    %select_n3A_831 = arith.select %broadcast_in_dim3A_829, %mul3A_770, %broadcast_in_dim3A_830 : vector<64x192xi1>, vector<64x192xf32>
    %eq3A_832 = arith.constant 5 : i32
    %eq3A_833 = vector.broadcast %eq3A_832 : i32 to vector<1x192xi32>
    %eq3A_834 = arith.cmpi eq, %select_n3A, %eq3A_833 : vector<1x192xi32>
    %jit3A_835 = arith.constant 0.000000e+00 : f32
    %broadcast_in_dim3A_836 = vector.shape_cast %eq3A_834 : vector<1x192xi1> to vector<1x192xi1>
    %broadcast_in_dim3A_837 = vector.broadcast %broadcast_in_dim3A_836 : vector<1x192xi1> to vector<64x192xi1>
    %broadcast_in_dim3A_838 = vector.broadcast %jit3A_835 : f32 to vector<64x192xf32>
    %select_n3A_839 = arith.select %broadcast_in_dim3A_837, %mul3A_770, %broadcast_in_dim3A_838 : vector<64x192xi1>, vector<64x192xf32>
    %concatenate3A_840 = tpu.concatenate %select_n3A_799, %select_n3A_807, %select_n3A_815, %select_n3A_823, %select_n3A_831, %select_n3A_839 in 0 : vector<64x192xf32>, vector<64x192xf32>, vector<64x192xf32>, vector<64x192xf32>, vector<64x192xf32>, vector<64x192xf32> -> vector<384x192xf32>
    %dot_general3A_841 = arith.constant dense<0.000000e+00> : vector<384x256xf32>
    %dot_general3A_842 = tpu.matmul %concatenate3A_840, %concatenate3A_791, %dot_general3A_841 {dimension_numbers = #tpu.dot_dimension_numbers<[1], [1], [0], [0], [0, 0, 1, 0], [], []>, transpose_lhs_hint = false} : vector<384x192xf32>, vector<256x192xf32>, vector<384x256xf32> -> vector<384x256xf32>
    %exp3A_843 = math.exp %dot_general3A_842 : vector<384x256xf32>
    %reduce_sum3A_844 = arith.constant dense<0.000000e+00> : vector<384xf32>
    %reduce_sum3A_845 = vector.multi_reduction <add>, %exp3A_843, %reduce_sum3A_844 [1] : vector<384x256xf32> to vector<384xf32>
    %broadcast_in_dim3A_846 = vector.shape_cast %reduce_sum3A_845 : vector<384xf32> to vector<384x1xf32>
    %div3A_847 = arith.constant 1.000000e+00 : f32
    %div3A_848 = vector.broadcast %div3A_847 : f32 to vector<384x1xf32>
    %div3A_849 = arith.divf %div3A_848, %broadcast_in_dim3A_846 : vector<384x1xf32>
    %dot_general3A_850 = arith.constant dense<0.000000e+00> : vector<384x192xf32>
    %dot_general3A_851 = tpu.matmul %exp3A_843, %concatenate3A_791, %dot_general3A_850 {dimension_numbers = #tpu.dot_dimension_numbers<[1], [0], [0], [1], [0, 0, 1, 1], [], []>, transpose_lhs_hint = false} : vector<384x256xf32>, vector<256x192xf32>, vector<384x192xf32> -> vector<384x192xf32>
    %mul3A_852 = vector.broadcast %div3A_849 : vector<384x1xf32> to vector<384x192xf32>
    %mul3A_853 = arith.mulf %dot_general3A_851, %mul3A_852 : vector<384x192xf32>
    %slice3A_854 = vector.extract_strided_slice %mul3A_853 {offsets = [0, 0], sizes = [64, 192], strides = [1, 1]} : vector<384x192xf32> to vector<64x192xf32>
    %eq3A_855 = arith.constant 1 : i32
    %eq3A_856 = vector.broadcast %eq3A_855 : i32 to vector<1x192xi32>
    %eq3A_857 = arith.cmpi eq, %select_n3A, %eq3A_856 : vector<1x192xi32>
    %slice3A_858 = vector.extract_strided_slice %mul3A_853 {offsets = [64, 0], sizes = [64, 192], strides = [1, 1]} : vector<384x192xf32> to vector<64x192xf32>
    %broadcast_in_dim3A_859 = vector.shape_cast %eq3A_857 : vector<1x192xi1> to vector<1x192xi1>
    %broadcast_in_dim3A_860 = vector.broadcast %broadcast_in_dim3A_859 : vector<1x192xi1> to vector<64x192xi1>
    %select_n3A_861 = arith.select %broadcast_in_dim3A_860, %slice3A_858, %slice3A_854 : vector<64x192xi1>, vector<64x192xf32>
    %eq3A_862 = arith.constant 2 : i32
    %eq3A_863 = vector.broadcast %eq3A_862 : i32 to vector<1x192xi32>
    %eq3A_864 = arith.cmpi eq, %select_n3A, %eq3A_863 : vector<1x192xi32>
    %slice3A_865 = vector.extract_strided_slice %mul3A_853 {offsets = [128, 0], sizes = [64, 192], strides = [1, 1]} : vector<384x192xf32> to vector<64x192xf32>
    %broadcast_in_dim3A_866 = vector.shape_cast %eq3A_864 : vector<1x192xi1> to vector<1x192xi1>
    %broadcast_in_dim3A_867 = vector.broadcast %broadcast_in_dim3A_866 : vector<1x192xi1> to vector<64x192xi1>
    %select_n3A_868 = arith.select %broadcast_in_dim3A_867, %slice3A_865, %select_n3A_861 : vector<64x192xi1>, vector<64x192xf32>
    %eq3A_869 = arith.constant 3 : i32
    %eq3A_870 = vector.broadcast %eq3A_869 : i32 to vector<1x192xi32>
    %eq3A_871 = arith.cmpi eq, %select_n3A, %eq3A_870 : vector<1x192xi32>
    %slice3A_872 = vector.extract_strided_slice %mul3A_853 {offsets = [192, 0], sizes = [64, 192], strides = [1, 1]} : vector<384x192xf32> to vector<64x192xf32>
    %broadcast_in_dim3A_873 = vector.shape_cast %eq3A_871 : vector<1x192xi1> to vector<1x192xi1>
    %broadcast_in_dim3A_874 = vector.broadcast %broadcast_in_dim3A_873 : vector<1x192xi1> to vector<64x192xi1>
    %select_n3A_875 = arith.select %broadcast_in_dim3A_874, %slice3A_872, %select_n3A_868 : vector<64x192xi1>, vector<64x192xf32>
    %eq3A_876 = arith.constant 4 : i32
    %eq3A_877 = vector.broadcast %eq3A_876 : i32 to vector<1x192xi32>
    %eq3A_878 = arith.cmpi eq, %select_n3A, %eq3A_877 : vector<1x192xi32>
    %slice3A_879 = vector.extract_strided_slice %mul3A_853 {offsets = [256, 0], sizes = [64, 192], strides = [1, 1]} : vector<384x192xf32> to vector<64x192xf32>
    %broadcast_in_dim3A_880 = vector.shape_cast %eq3A_878 : vector<1x192xi1> to vector<1x192xi1>
    %broadcast_in_dim3A_881 = vector.broadcast %broadcast_in_dim3A_880 : vector<1x192xi1> to vector<64x192xi1>
    %select_n3A_882 = arith.select %broadcast_in_dim3A_881, %slice3A_879, %select_n3A_875 : vector<64x192xi1>, vector<64x192xf32>
    %eq3A_883 = arith.constant 5 : i32
    %eq3A_884 = vector.broadcast %eq3A_883 : i32 to vector<1x192xi32>
    %eq3A_885 = arith.cmpi eq, %select_n3A, %eq3A_884 : vector<1x192xi32>
    %slice3A_886 = vector.extract_strided_slice %mul3A_853 {offsets = [320, 0], sizes = [64, 192], strides = [1, 1]} : vector<384x192xf32> to vector<64x192xf32>
    %broadcast_in_dim3A_887 = vector.shape_cast %eq3A_885 : vector<1x192xi1> to vector<1x192xi1>
    %broadcast_in_dim3A_888 = vector.broadcast %broadcast_in_dim3A_887 : vector<1x192xi1> to vector<64x192xi1>
    %select_n3A_889 = arith.select %broadcast_in_dim3A_888, %slice3A_886, %select_n3A_882 : vector<64x192xi1>, vector<64x192xf32>
    %reshape3A_890 = vector.shape_cast %select_n3A_889 : vector<64x192xf32> to vector<1x64x192xf32>
    %concatenate3A_891 = tpu.concatenate %reshape3A_140, %reshape3A_265, %reshape3A_390, %reshape3A_515, %reshape3A_640, %reshape3A_765, %reshape3A_890 in 0 : vector<1x64x192xf32>, vector<1x64x192xf32>, vector<1x64x192xf32>, vector<1x64x192xf32>, vector<1x64x192xf32>, vector<1x64x192xf32>, vector<1x64x192xf32> -> vector<7x64x192xf32>
    %swap3A = arith.constant 0 : index
    %swap3A_892 = arith.constant 0 : index
    %swap3A_893 = arith.constant 0 : index
    %swap3A_894 = vector.load %arg31[%swap3A, %swap3A_892, %swap3A_893] : memref<7x64x192xf32, #tpu.memory_space<vmem>>, vector<7x64x192xf32>
    tpu.vector_store %arg31[%swap3A, %swap3A_892, %swap3A_893], %concatenate3A_891 {strides = array<i32>} : memref<7x64x192xf32, #tpu.memory_space<vmem>>, vector<7x64x192xf32>,
    return
  }
  func.func @transform_0(%arg0: i32, %arg1: memref<3136xi32, #tpu.memory_space<smem>>) -> (i32, i32, i32) {
    %c0_i32 = arith.constant 0 : i32
    %c0_i32_0 = arith.constant 0 : i32
    %c0_i32_1 = arith.constant 0 : i32
    return %arg0, %c0_i32, %c0_i32_0 : i32, i32, i32
  }
  func.func @transform_1(%arg0: i32, %arg1: memref<3136xi32, #tpu.memory_space<smem>>) -> (i32, i32, i32) {
    %mul3A = arith.constant 7 : i32
    %mul3A_0 = arith.muli %mul3A, %arg0 : i32
    %add3A = arith.constant 0 : i32
    %add3A_1 = arith.addi %mul3A_0, %add3A : i32
    %mul3A_2 = arith.constant 4 : i32
    %mul3A_3 = arith.muli %add3A_1, %mul3A_2 : i32
    %add3A_4 = arith.constant 0 : i32
    %add3A_5 = arith.addi %mul3A_3, %add3A_4 : i32
    %get3A = arith.index_cast %add3A_5 : i32 to index
    %get3A_6 = memref.load %arg1[%get3A] : memref<3136xi32, #tpu.memory_space<smem>>
    %c0_i32 = arith.constant 0 : i32
    %c0_i32_7 = arith.constant 0 : i32
    %c0_i32_8 = arith.constant 0 : i32
    return %get3A_6, %c0_i32, %c0_i32_7 : i32, i32, i32
  }
  func.func @transform_2(%arg0: i32, %arg1: memref<3136xi32, #tpu.memory_space<smem>>) -> (i32, i32, i32) {
    %mul3A = arith.constant 7 : i32
    %mul3A_0 = arith.muli %mul3A, %arg0 : i32
    %add3A = arith.constant 0 : i32
    %add3A_1 = arith.addi %mul3A_0, %add3A : i32
    %mul3A_2 = arith.constant 4 : i32
    %mul3A_3 = arith.muli %add3A_1, %mul3A_2 : i32
    %add3A_4 = arith.constant 1 : i32
    %add3A_5 = arith.addi %mul3A_3, %add3A_4 : i32
    %get3A = arith.index_cast %add3A_5 : i32 to index
    %get3A_6 = memref.load %arg1[%get3A] : memref<3136xi32, #tpu.memory_space<smem>>
    %c0_i32 = arith.constant 0 : i32
    %c0_i32_7 = arith.constant 0 : i32
    %c0_i32_8 = arith.constant 0 : i32
    return %get3A_6, %c0_i32, %c0_i32_7 : i32, i32, i32
  }
  func.func @transform_3(%arg0: i32, %arg1: memref<3136xi32, #tpu.memory_space<smem>>) -> (i32, i32, i32) {
    %mul3A = arith.constant 7 : i32
    %mul3A_0 = arith.muli %mul3A, %arg0 : i32
    %add3A = arith.constant 0 : i32
    %add3A_1 = arith.addi %mul3A_0, %add3A : i32
    %mul3A_2 = arith.constant 4 : i32
    %mul3A_3 = arith.muli %add3A_1, %mul3A_2 : i32
    %add3A_4 = arith.constant 2 : i32
    %add3A_5 = arith.addi %mul3A_3, %add3A_4 : i32
    %get3A = arith.index_cast %add3A_5 : i32 to index
    %get3A_6 = memref.load %arg1[%get3A] : memref<3136xi32, #tpu.memory_space<smem>>
    %c0_i32 = arith.constant 0 : i32
    %c0_i32_7 = arith.constant 0 : i32
    %c0_i32_8 = arith.constant 0 : i32
    return %get3A_6, %c0_i32, %c0_i32_7 : i32, i32, i32
  }
  func.func @transform_4(%arg0: i32, %arg1: memref<3136xi32, #tpu.memory_space<smem>>) -> (i32, i32, i32) {
    %mul3A = arith.constant 7 : i32
    %mul3A_0 = arith.muli %mul3A, %arg0 : i32
    %add3A = arith.constant 0 : i32
    %add3A_1 = arith.addi %mul3A_0, %add3A : i32
    %mul3A_2 = arith.constant 4 : i32
    %mul3A_3 = arith.muli %add3A_1, %mul3A_2 : i32
    %add3A_4 = arith.constant 3 : i32
    %add3A_5 = arith.addi %mul3A_3, %add3A_4 : i32
    %get3A = arith.index_cast %add3A_5 : i32 to index
    %get3A_6 = memref.load %arg1[%get3A] : memref<3136xi32, #tpu.memory_space<smem>>
    %c0_i32 = arith.constant 0 : i32
    %c0_i32_7 = arith.constant 0 : i32
    %c0_i32_8 = arith.constant 0 : i32
    return %get3A_6, %c0_i32, %c0_i32_7 : i32, i32, i32
  }
  func.func @transform_5(%arg0: i32, %arg1: memref<3136xi32, #tpu.memory_space<smem>>) -> (i32, i32, i32) {
    %mul3A = arith.constant 7 : i32
    %mul3A_0 = arith.muli %mul3A, %arg0 : i32
    %add3A = arith.constant 1 : i32
    %add3A_1 = arith.addi %mul3A_0, %add3A : i32
    %mul3A_2 = arith.constant 4 : i32
    %mul3A_3 = arith.muli %add3A_1, %mul3A_2 : i32
    %add3A_4 = arith.constant 0 : i32
    %add3A_5 = arith.addi %mul3A_3, %add3A_4 : i32
    %get3A = arith.index_cast %add3A_5 : i32 to index
    %get3A_6 = memref.load %arg1[%get3A] : memref<3136xi32, #tpu.memory_space<smem>>
    %c0_i32 = arith.constant 0 : i32
    %c0_i32_7 = arith.constant 0 : i32
    %c0_i32_8 = arith.constant 0 : i32
    return %get3A_6, %c0_i32, %c0_i32_7 : i32, i32, i32
  }
  func.func @transform_6(%arg0: i32, %arg1: memref<3136xi32, #tpu.memory_space<smem>>) -> (i32, i32, i32) {
    %mul3A = arith.constant 7 : i32
    %mul3A_0 = arith.muli %mul3A, %arg0 : i32
    %add3A = arith.constant 1 : i32
    %add3A_1 = arith.addi %mul3A_0, %add3A : i32
    %mul3A_2 = arith.constant 4 : i32
    %mul3A_3 = arith.muli %add3A_1, %mul3A_2 : i32
    %add3A_4 = arith.constant 1 : i32
    %add3A_5 = arith.addi %mul3A_3, %add3A_4 : i32
    %get3A = arith.index_cast %add3A_5 : i32 to index
    %get3A_6 = memref.load %arg1[%get3A] : memref<3136xi32, #tpu.memory_space<smem>>
    %c0_i32 = arith.constant 0 : i32
    %c0_i32_7 = arith.constant 0 : i32
    %c0_i32_8 = arith.constant 0 : i32
    return %get3A_6, %c0_i32, %c0_i32_7 : i32, i32, i32
  }
  func.func @transform_7(%arg0: i32, %arg1: memref<3136xi32, #tpu.memory_space<smem>>) -> (i32, i32, i32) {
    %mul3A = arith.constant 7 : i32
    %mul3A_0 = arith.muli %mul3A, %arg0 : i32
    %add3A = arith.constant 1 : i32
    %add3A_1 = arith.addi %mul3A_0, %add3A : i32
    %mul3A_2 = arith.constant 4 : i32
    %mul3A_3 = arith.muli %add3A_1, %mul3A_2 : i32
    %add3A_4 = arith.constant 2 : i32
    %add3A_5 = arith.addi %mul3A_3, %add3A_4 : i32
    %get3A = arith.index_cast %add3A_5 : i32 to index
    %get3A_6 = memref.load %arg1[%get3A] : memref<3136xi32, #tpu.memory_space<smem>>
    %c0_i32 = arith.constant 0 : i32
    %c0_i32_7 = arith.constant 0 : i32
    %c0_i32_8 = arith.constant 0 : i32
    return %get3A_6, %c0_i32, %c0_i32_7 : i32, i32, i32
  }
  func.func @transform_8(%arg0: i32, %arg1: memref<3136xi32, #tpu.memory_space<smem>>) -> (i32, i32, i32) {
    %mul3A = arith.constant 7 : i32
    %mul3A_0 = arith.muli %mul3A, %arg0 : i32
    %add3A = arith.constant 1 : i32
    %add3A_1 = arith.addi %mul3A_0, %add3A : i32
    %mul3A_2 = arith.constant 4 : i32
    %mul3A_3 = arith.muli %add3A_1, %mul3A_2 : i32
    %add3A_4 = arith.constant 3 : i32
    %add3A_5 = arith.addi %mul3A_3, %add3A_4 : i32
    %get3A = arith.index_cast %add3A_5 : i32 to index
    %get3A_6 = memref.load %arg1[%get3A] : memref<3136xi32, #tpu.memory_space<smem>>
    %c0_i32 = arith.constant 0 : i32
    %c0_i32_7 = arith.constant 0 : i32
    %c0_i32_8 = arith.constant 0 : i32
    return %get3A_6, %c0_i32, %c0_i32_7 : i32, i32, i32
  }
  func.func @transform_9(%arg0: i32, %arg1: memref<3136xi32, #tpu.memory_space<smem>>) -> (i32, i32, i32) {
    %mul3A = arith.constant 7 : i32
    %mul3A_0 = arith.muli %mul3A, %arg0 : i32
    %add3A = arith.constant 2 : i32
    %add3A_1 = arith.addi %mul3A_0, %add3A : i32
    %mul3A_2 = arith.constant 4 : i32
    %mul3A_3 = arith.muli %add3A_1, %mul3A_2 : i32
    %add3A_4 = arith.constant 0 : i32
    %add3A_5 = arith.addi %mul3A_3, %add3A_4 : i32
    %get3A = arith.index_cast %add3A_5 : i32 to index
    %get3A_6 = memref.load %arg1[%get3A] : memref<3136xi32, #tpu.memory_space<smem>>
    %c0_i32 = arith.constant 0 : i32
    %c0_i32_7 = arith.constant 0 : i32
    %c0_i32_8 = arith.constant 0 : i32
    return %get3A_6, %c0_i32, %c0_i32_7 : i32, i32, i32
  }
  func.func @transform_10(%arg0: i32, %arg1: memref<3136xi32, #tpu.memory_space<smem>>) -> (i32, i32, i32) {
    %mul3A = arith.constant 7 : i32
    %mul3A_0 = arith.muli %mul3A, %arg0 : i32
    %add3A = arith.constant 2 : i32
    %add3A_1 = arith.addi %mul3A_0, %add3A : i32
    %mul3A_2 = arith.constant 4 : i32
    %mul3A_3 = arith.muli %add3A_1, %mul3A_2 : i32
    %add3A_4 = arith.constant 1 : i32
    %add3A_5 = arith.addi %mul3A_3, %add3A_4 : i32
    %get3A = arith.index_cast %add3A_5 : i32 to index
    %get3A_6 = memref.load %arg1[%get3A] : memref<3136xi32, #tpu.memory_space<smem>>
    %c0_i32 = arith.constant 0 : i32
    %c0_i32_7 = arith.constant 0 : i32
    %c0_i32_8 = arith.constant 0 : i32
    return %get3A_6, %c0_i32, %c0_i32_7 : i32, i32, i32
  }
  func.func @transform_11(%arg0: i32, %arg1: memref<3136xi32, #tpu.memory_space<smem>>) -> (i32, i32, i32) {
    %mul3A = arith.constant 7 : i32
    %mul3A_0 = arith.muli %mul3A, %arg0 : i32
    %add3A = arith.constant 2 : i32
    %add3A_1 = arith.addi %mul3A_0, %add3A : i32
    %mul3A_2 = arith.constant 4 : i32
    %mul3A_3 = arith.muli %add3A_1, %mul3A_2 : i32
    %add3A_4 = arith.constant 2 : i32
    %add3A_5 = arith.addi %mul3A_3, %add3A_4 : i32
    %get3A = arith.index_cast %add3A_5 : i32 to index
    %get3A_6 = memref.load %arg1[%get3A] : memref<3136xi32, #tpu.memory_space<smem>>
    %c0_i32 = arith.constant 0 : i32
    %c0_i32_7 = arith.constant 0 : i32
    %c0_i32_8 = arith.constant 0 : i32
    return %get3A_6, %c0_i32, %c0_i32_7 : i32, i32, i32
  }
  func.func @transform_12(%arg0: i32, %arg1: memref<3136xi32, #tpu.memory_space<smem>>) -> (i32, i32, i32) {
    %mul3A = arith.constant 7 : i32
    %mul3A_0 = arith.muli %mul3A, %arg0 : i32
    %add3A = arith.constant 2 : i32
    %add3A_1 = arith.addi %mul3A_0, %add3A : i32
    %mul3A_2 = arith.constant 4 : i32
    %mul3A_3 = arith.muli %add3A_1, %mul3A_2 : i32
    %add3A_4 = arith.constant 3 : i32
    %add3A_5 = arith.addi %mul3A_3, %add3A_4 : i32
    %get3A = arith.index_cast %add3A_5 : i32 to index
    %get3A_6 = memref.load %arg1[%get3A] : memref<3136xi32, #tpu.memory_space<smem>>
    %c0_i32 = arith.constant 0 : i32
    %c0_i32_7 = arith.constant 0 : i32
    %c0_i32_8 = arith.constant 0 : i32
    return %get3A_6, %c0_i32, %c0_i32_7 : i32, i32, i32
  }
  func.func @transform_13(%arg0: i32, %arg1: memref<3136xi32, #tpu.memory_space<smem>>) -> (i32, i32, i32) {
    %mul3A = arith.constant 7 : i32
    %mul3A_0 = arith.muli %mul3A, %arg0 : i32
    %add3A = arith.constant 3 : i32
    %add3A_1 = arith.addi %mul3A_0, %add3A : i32
    %mul3A_2 = arith.constant 4 : i32
    %mul3A_3 = arith.muli %add3A_1, %mul3A_2 : i32
    %add3A_4 = arith.constant 0 : i32
    %add3A_5 = arith.addi %mul3A_3, %add3A_4 : i32
    %get3A = arith.index_cast %add3A_5 : i32 to index
    %get3A_6 = memref.load %arg1[%get3A] : memref<3136xi32, #tpu.memory_space<smem>>
    %c0_i32 = arith.constant 0 : i32
    %c0_i32_7 = arith.constant 0 : i32
    %c0_i32_8 = arith.constant 0 : i32
    return %get3A_6, %c0_i32, %c0_i32_7 : i32, i32, i32
  }
  func.func @transform_14(%arg0: i32, %arg1: memref<3136xi32, #tpu.memory_space<smem>>) -> (i32, i32, i32) {
    %mul3A = arith.constant 7 : i32
    %mul3A_0 = arith.muli %mul3A, %arg0 : i32
    %add3A = arith.constant 3 : i32
    %add3A_1 = arith.addi %mul3A_0, %add3A : i32
    %mul3A_2 = arith.constant 4 : i32
    %mul3A_3 = arith.muli %add3A_1, %mul3A_2 : i32
    %add3A_4 = arith.constant 1 : i32
    %add3A_5 = arith.addi %mul3A_3, %add3A_4 : i32
    %get3A = arith.index_cast %add3A_5 : i32 to index
    %get3A_6 = memref.load %arg1[%get3A] : memref<3136xi32, #tpu.memory_space<smem>>
    %c0_i32 = arith.constant 0 : i32
    %c0_i32_7 = arith.constant 0 : i32
    %c0_i32_8 = arith.constant 0 : i32
    return %get3A_6, %c0_i32, %c0_i32_7 : i32, i32, i32
  }
  func.func @transform_15(%arg0: i32, %arg1: memref<3136xi32, #tpu.memory_space<smem>>) -> (i32, i32, i32) {
    %mul3A = arith.constant 7 : i32
    %mul3A_0 = arith.muli %mul3A, %arg0 : i32
    %add3A = arith.constant 3 : i32
    %add3A_1 = arith.addi %mul3A_0, %add3A : i32
    %mul3A_2 = arith.constant 4 : i32
    %mul3A_3 = arith.muli %add3A_1, %mul3A_2 : i32
    %add3A_4 = arith.constant 2 : i32
    %add3A_5 = arith.addi %mul3A_3, %add3A_4 : i32
    %get3A = arith.index_cast %add3A_5 : i32 to index
    %get3A_6 = memref.load %arg1[%get3A] : memref<3136xi32, #tpu.memory_space<smem>>
    %c0_i32 = arith.constant 0 : i32
    %c0_i32_7 = arith.constant 0 : i32
    %c0_i32_8 = arith.constant 0 : i32
    return %get3A_6, %c0_i32, %c0_i32_7 : i32, i32, i32
  }
  func.func @transform_16(%arg0: i32, %arg1: memref<3136xi32, #tpu.memory_space<smem>>) -> (i32, i32, i32) {
    %mul3A = arith.constant 7 : i32
    %mul3A_0 = arith.muli %mul3A, %arg0 : i32
    %add3A = arith.constant 3 : i32
    %add3A_1 = arith.addi %mul3A_0, %add3A : i32
    %mul3A_2 = arith.constant 4 : i32
    %mul3A_3 = arith.muli %add3A_1, %mul3A_2 : i32
    %add3A_4 = arith.constant 3 : i32
    %add3A_5 = arith.addi %mul3A_3, %add3A_4 : i32
    %get3A = arith.index_cast %add3A_5 : i32 to index
    %get3A_6 = memref.load %arg1[%get3A] : memref<3136xi32, #tpu.memory_space<smem>>
    %c0_i32 = arith.constant 0 : i32
    %c0_i32_7 = arith.constant 0 : i32
    %c0_i32_8 = arith.constant 0 : i32
    return %get3A_6, %c0_i32, %c0_i32_7 : i32, i32, i32
  }
  func.func @transform_17(%arg0: i32, %arg1: memref<3136xi32, #tpu.memory_space<smem>>) -> (i32, i32, i32) {
    %mul3A = arith.constant 7 : i32
    %mul3A_0 = arith.muli %mul3A, %arg0 : i32
    %add3A = arith.constant 4 : i32
    %add3A_1 = arith.addi %mul3A_0, %add3A : i32
    %mul3A_2 = arith.constant 4 : i32
    %mul3A_3 = arith.muli %add3A_1, %mul3A_2 : i32
    %add3A_4 = arith.constant 0 : i32
    %add3A_5 = arith.addi %mul3A_3, %add3A_4 : i32
    %get3A = arith.index_cast %add3A_5 : i32 to index
    %get3A_6 = memref.load %arg1[%get3A] : memref<3136xi32, #tpu.memory_space<smem>>
    %c0_i32 = arith.constant 0 : i32
    %c0_i32_7 = arith.constant 0 : i32
    %c0_i32_8 = arith.constant 0 : i32
    return %get3A_6, %c0_i32, %c0_i32_7 : i32, i32, i32
  }
  func.func @transform_18(%arg0: i32, %arg1: memref<3136xi32, #tpu.memory_space<smem>>) -> (i32, i32, i32) {
    %mul3A = arith.constant 7 : i32
    %mul3A_0 = arith.muli %mul3A, %arg0 : i32
    %add3A = arith.constant 4 : i32
    %add3A_1 = arith.addi %mul3A_0, %add3A : i32
    %mul3A_2 = arith.constant 4 : i32
    %mul3A_3 = arith.muli %add3A_1, %mul3A_2 : i32
    %add3A_4 = arith.constant 1 : i32
    %add3A_5 = arith.addi %mul3A_3, %add3A_4 : i32
    %get3A = arith.index_cast %add3A_5 : i32 to index
    %get3A_6 = memref.load %arg1[%get3A] : memref<3136xi32, #tpu.memory_space<smem>>
    %c0_i32 = arith.constant 0 : i32
    %c0_i32_7 = arith.constant 0 : i32
    %c0_i32_8 = arith.constant 0 : i32
    return %get3A_6, %c0_i32, %c0_i32_7 : i32, i32, i32
  }
  func.func @transform_19(%arg0: i32, %arg1: memref<3136xi32, #tpu.memory_space<smem>>) -> (i32, i32, i32) {
    %mul3A = arith.constant 7 : i32
    %mul3A_0 = arith.muli %mul3A, %arg0 : i32
    %add3A = arith.constant 4 : i32
    %add3A_1 = arith.addi %mul3A_0, %add3A : i32
    %mul3A_2 = arith.constant 4 : i32
    %mul3A_3 = arith.muli %add3A_1, %mul3A_2 : i32
    %add3A_4 = arith.constant 2 : i32
    %add3A_5 = arith.addi %mul3A_3, %add3A_4 : i32
    %get3A = arith.index_cast %add3A_5 : i32 to index
    %get3A_6 = memref.load %arg1[%get3A] : memref<3136xi32, #tpu.memory_space<smem>>
    %c0_i32 = arith.constant 0 : i32
    %c0_i32_7 = arith.constant 0 : i32
    %c0_i32_8 = arith.constant 0 : i32
    return %get3A_6, %c0_i32, %c0_i32_7 : i32, i32, i32
  }
  func.func @transform_20(%arg0: i32, %arg1: memref<3136xi32, #tpu.memory_space<smem>>) -> (i32, i32, i32) {
    %mul3A = arith.constant 7 : i32
    %mul3A_0 = arith.muli %mul3A, %arg0 : i32
    %add3A = arith.constant 4 : i32
    %add3A_1 = arith.addi %mul3A_0, %add3A : i32
    %mul3A_2 = arith.constant 4 : i32
    %mul3A_3 = arith.muli %add3A_1, %mul3A_2 : i32
    %add3A_4 = arith.constant 3 : i32
    %add3A_5 = arith.addi %mul3A_3, %add3A_4 : i32
    %get3A = arith.index_cast %add3A_5 : i32 to index
    %get3A_6 = memref.load %arg1[%get3A] : memref<3136xi32, #tpu.memory_space<smem>>
    %c0_i32 = arith.constant 0 : i32
    %c0_i32_7 = arith.constant 0 : i32
    %c0_i32_8 = arith.constant 0 : i32
    return %get3A_6, %c0_i32, %c0_i32_7 : i32, i32, i32
  }
  func.func @transform_21(%arg0: i32, %arg1: memref<3136xi32, #tpu.memory_space<smem>>) -> (i32, i32, i32) {
    %mul3A = arith.constant 7 : i32
    %mul3A_0 = arith.muli %mul3A, %arg0 : i32
    %add3A = arith.constant 5 : i32
    %add3A_1 = arith.addi %mul3A_0, %add3A : i32
    %mul3A_2 = arith.constant 4 : i32
    %mul3A_3 = arith.muli %add3A_1, %mul3A_2 : i32
    %add3A_4 = arith.constant 0 : i32
    %add3A_5 = arith.addi %mul3A_3, %add3A_4 : i32
    %get3A = arith.index_cast %add3A_5 : i32 to index
    %get3A_6 = memref.load %arg1[%get3A] : memref<3136xi32, #tpu.memory_space<smem>>
    %c0_i32 = arith.constant 0 : i32
    %c0_i32_7 = arith.constant 0 : i32
    %c0_i32_8 = arith.constant 0 : i32
    return %get3A_6, %c0_i32, %c0_i32_7 : i32, i32, i32
  }
  func.func @transform_22(%arg0: i32, %arg1: memref<3136xi32, #tpu.memory_space<smem>>) -> (i32, i32, i32) {
    %mul3A = arith.constant 7 : i32
    %mul3A_0 = arith.muli %mul3A, %arg0 : i32
    %add3A = arith.constant 5 : i32
    %add3A_1 = arith.addi %mul3A_0, %add3A : i32
    %mul3A_2 = arith.constant 4 : i32
    %mul3A_3 = arith.muli %add3A_1, %mul3A_2 : i32
    %add3A_4 = arith.constant 1 : i32
    %add3A_5 = arith.addi %mul3A_3, %add3A_4 : i32
    %get3A = arith.index_cast %add3A_5 : i32 to index
    %get3A_6 = memref.load %arg1[%get3A] : memref<3136xi32, #tpu.memory_space<smem>>
    %c0_i32 = arith.constant 0 : i32
    %c0_i32_7 = arith.constant 0 : i32
    %c0_i32_8 = arith.constant 0 : i32
    return %get3A_6, %c0_i32, %c0_i32_7 : i32, i32, i32
  }
  func.func @transform_23(%arg0: i32, %arg1: memref<3136xi32, #tpu.memory_space<smem>>) -> (i32, i32, i32) {
    %mul3A = arith.constant 7 : i32
    %mul3A_0 = arith.muli %mul3A, %arg0 : i32
    %add3A = arith.constant 5 : i32
    %add3A_1 = arith.addi %mul3A_0, %add3A : i32
    %mul3A_2 = arith.constant 4 : i32
    %mul3A_3 = arith.muli %add3A_1, %mul3A_2 : i32
    %add3A_4 = arith.constant 2 : i32
    %add3A_5 = arith.addi %mul3A_3, %add3A_4 : i32
    %get3A = arith.index_cast %add3A_5 : i32 to index
    %get3A_6 = memref.load %arg1[%get3A] : memref<3136xi32, #tpu.memory_space<smem>>
    %c0_i32 = arith.constant 0 : i32
    %c0_i32_7 = arith.constant 0 : i32
    %c0_i32_8 = arith.constant 0 : i32
    return %get3A_6, %c0_i32, %c0_i32_7 : i32, i32, i32
  }
  func.func @transform_24(%arg0: i32, %arg1: memref<3136xi32, #tpu.memory_space<smem>>) -> (i32, i32, i32) {
    %mul3A = arith.constant 7 : i32
    %mul3A_0 = arith.muli %mul3A, %arg0 : i32
    %add3A = arith.constant 5 : i32
    %add3A_1 = arith.addi %mul3A_0, %add3A : i32
    %mul3A_2 = arith.constant 4 : i32
    %mul3A_3 = arith.muli %add3A_1, %mul3A_2 : i32
    %add3A_4 = arith.constant 3 : i32
    %add3A_5 = arith.addi %mul3A_3, %add3A_4 : i32
    %get3A = arith.index_cast %add3A_5 : i32 to index
    %get3A_6 = memref.load %arg1[%get3A] : memref<3136xi32, #tpu.memory_space<smem>>
    %c0_i32 = arith.constant 0 : i32
    %c0_i32_7 = arith.constant 0 : i32
    %c0_i32_8 = arith.constant 0 : i32
    return %get3A_6, %c0_i32, %c0_i32_7 : i32, i32, i32
  }
  func.func @transform_25(%arg0: i32, %arg1: memref<3136xi32, #tpu.memory_space<smem>>) -> (i32, i32, i32) {
    %mul3A = arith.constant 7 : i32
    %mul3A_0 = arith.muli %mul3A, %arg0 : i32
    %add3A = arith.constant 6 : i32
    %add3A_1 = arith.addi %mul3A_0, %add3A : i32
    %mul3A_2 = arith.constant 4 : i32
    %mul3A_3 = arith.muli %add3A_1, %mul3A_2 : i32
    %add3A_4 = arith.constant 0 : i32
    %add3A_5 = arith.addi %mul3A_3, %add3A_4 : i32
    %get3A = arith.index_cast %add3A_5 : i32 to index
    %get3A_6 = memref.load %arg1[%get3A] : memref<3136xi32, #tpu.memory_space<smem>>
    %c0_i32 = arith.constant 0 : i32
    %c0_i32_7 = arith.constant 0 : i32
    %c0_i32_8 = arith.constant 0 : i32
    return %get3A_6, %c0_i32, %c0_i32_7 : i32, i32, i32
  }
  func.func @transform_26(%arg0: i32, %arg1: memref<3136xi32, #tpu.memory_space<smem>>) -> (i32, i32, i32) {
    %mul3A = arith.constant 7 : i32
    %mul3A_0 = arith.muli %mul3A, %arg0 : i32
    %add3A = arith.constant 6 : i32
    %add3A_1 = arith.addi %mul3A_0, %add3A : i32
    %mul3A_2 = arith.constant 4 : i32
    %mul3A_3 = arith.muli %add3A_1, %mul3A_2 : i32
    %add3A_4 = arith.constant 1 : i32
    %add3A_5 = arith.addi %mul3A_3, %add3A_4 : i32
    %get3A = arith.index_cast %add3A_5 : i32 to index
    %get3A_6 = memref.load %arg1[%get3A] : memref<3136xi32, #tpu.memory_space<smem>>
    %c0_i32 = arith.constant 0 : i32
    %c0_i32_7 = arith.constant 0 : i32
    %c0_i32_8 = arith.constant 0 : i32
    return %get3A_6, %c0_i32, %c0_i32_7 : i32, i32, i32
  }
  func.func @transform_27(%arg0: i32, %arg1: memref<3136xi32, #tpu.memory_space<smem>>) -> (i32, i32, i32) {
    %mul3A = arith.constant 7 : i32
    %mul3A_0 = arith.muli %mul3A, %arg0 : i32
    %add3A = arith.constant 6 : i32
    %add3A_1 = arith.addi %mul3A_0, %add3A : i32
    %mul3A_2 = arith.constant 4 : i32
    %mul3A_3 = arith.muli %add3A_1, %mul3A_2 : i32
    %add3A_4 = arith.constant 2 : i32
    %add3A_5 = arith.addi %mul3A_3, %add3A_4 : i32
    %get3A = arith.index_cast %add3A_5 : i32 to index
    %get3A_6 = memref.load %arg1[%get3A] : memref<3136xi32, #tpu.memory_space<smem>>
    %c0_i32 = arith.constant 0 : i32
    %c0_i32_7 = arith.constant 0 : i32
    %c0_i32_8 = arith.constant 0 : i32
    return %get3A_6, %c0_i32, %c0_i32_7 : i32, i32, i32
  }
  func.func @transform_28(%arg0: i32, %arg1: memref<3136xi32, #tpu.memory_space<smem>>) -> (i32, i32, i32) {
    %mul3A = arith.constant 7 : i32
    %mul3A_0 = arith.muli %mul3A, %arg0 : i32
    %add3A = arith.constant 6 : i32
    %add3A_1 = arith.addi %mul3A_0, %add3A : i32
    %mul3A_2 = arith.constant 4 : i32
    %mul3A_3 = arith.muli %add3A_1, %mul3A_2 : i32
    %add3A_4 = arith.constant 3 : i32
    %add3A_5 = arith.addi %mul3A_3, %add3A_4 : i32
    %get3A = arith.index_cast %add3A_5 : i32 to index
    %get3A_6 = memref.load %arg1[%get3A] : memref<3136xi32, #tpu.memory_space<smem>>
    %c0_i32 = arith.constant 0 : i32
    %c0_i32_7 = arith.constant 0 : i32
    %c0_i32_8 = arith.constant 0 : i32
    return %get3A_6, %c0_i32, %c0_i32_7 : i32, i32, i32
  }
  func.func @transform_29(%arg0: i32, %arg1: memref<3136xi32, #tpu.memory_space<smem>>) -> (i32, i32, i32) {
    %c0_i32 = arith.constant 0 : i32
    %c0_i32_0 = arith.constant 0 : i32
    %c0_i32_1 = arith.constant 0 : i32
    return %arg0, %c0_i32, %c0_i32_0 : i32, i32, i32
  }
}

</mosaic_0001>

<sc_bundles>
// kernel: sparse-core-data-format-call.1.cloned.1.call-start
scs
called_computation.1_lowered:
.L_overlay_start_0:
0x0: {  	s1 =	sld [smem:$0x3FD9]  }
0x1: {  	s2 =	sld [smem:$0x3FFE];
	_ =	sdelay $0x1  }
0x2: {  	s3 =	srdreg.scid  }
0x3: {  	s0 =	sand.u32 $0x1, s3  }
0x4: {  	s17 =	sshll.u32 s0, $0xA;
	s1 =	sadd.s32 s2, s1  }
0x5: {  	s1 =	sadd.s32 s1, s17  }
0x6: {  	[smem:$0x3FC6] =	sst s1  }
0x7: {  	_ = 	snop  }
0x8: {  	(tm) =	ssettm $0x1  }
0x9: {  	s18 =	sld [smem:$0x3FFB];
	_ =	sdelay $0x3  }
0xa: {  	_ =	strace s18  }
0xb: {  	s1 =	sld [smem:$0x3FFC];
	_ =	sdelay $0x3  }
0xc: {  	_ =	strace s1  }
0xd: {  	s1 =	sld [smem:$0x3FFD];
	_ =	sdelay $0x3  }
0xe: {  	_ =	strace s1  }
0xf: {  	_ =	strace $0x8FFFFFFF  }
0x10: {  	s19 =	sld [smem:$0x3FDB];
	_ =	sdelay $0x1  }
0x11: {  	s20 =	simm.s32 $_scs_section_size  }
0x12: {  	s4 =	simm.s32 $_size__tile_overlayer_lowered;
	s5 =	simm.s32 $_tile_overlayer_lowered  }
0x13: {  	s23 =	simm.s32 $0x1BFF;
	s22 =	sshll.u32 s5, $0x1;
	s1 =	sadd.s32 s20, s19  }
0x14: {  	s6 =	simm.s32 $0x0;
	s21 =	sshll.u32 s4, $0x1;
	s4 =	sadd.s32 s22, s1  }
0x15: {  	[timem:s6], [sflag:s23] =	dma.local [hbm:s4], s21  }
0x16: {  	_ =	swait.ge [sflag:s23], s21  }
0x17: {  	s2 =	ssub.s32 $0x0, s21;
	[sflag:s23] =	ssyncset.done $0x0  }
0x18: {  	[sflag:s23] =	ssyncadd.s32 s2;
	_ =	sdelay $0x1  }
0x19: {  	s24 =	simm.s32 $0x1B8B  }
0x1a: {  	_ =	swait.ge [sflag:s24], $0x1  }
0x1b: {  	[sflag:s24] =	ssyncset.done $0x0  }
0x1c: {  	s26 =	simm.s32 $0x1B8E;
	s25 =	sld [smem:$0x3FFE];
	[sflag:s24] =	ssyncadd.s32 $0xFFFFFFFF  }
0x1d: {  	s27 =	simm.s32 $execute0_lowered;
	[smem:$0x3FD2] =	sst s26  }
0x1e: {  	s4 =	sshll.u32 s27, $0x1;
	_ =	strace $0x80000046;
	[dreg:$0x1] =	wrdreg $0xFFFFFFFF  }
0x1f: {  	s28 =	simm.s32 $_size_execute0_lowered;
	s1 =	sadd.s32 s1, s4;
	[dreg:$0x0] =	wrdreg $0x0  }
0x20: {  	s4 =	sshll.u32 s28, $0x1;
	[dreg:$0x2] =	wrdreg s1  }
0x21: {  	[dreg:$0x3] =	wrdreg s4  }
0x22: {  	[dreg:$0x4] =	wrdreg $0xC0  }
0x23: {  	_ =	task [dreg:s6], $0x5FFFF  }
0x24: {  	[dreg:$0x1] =	wrdreg $0xFFFFFFFF  }
0x25: {  	[dreg:$0x0] =	wrdreg $0x60  }
0x26: {  	[dreg:$0x2] =	wrdreg s25  }
0x27: {  	[dreg:$0x3] =	wrdreg $0x9  }
0x28: {  	_ =	task.clear_ibuf [dreg:s6], $0x4FFFF;
	_ =	strace $0x90000046  }
0x29: {  	s29 =	simm.s32 $0x9;
	_ =	strace $0x80000048  }
0x2a: {  	_ =	swait.ge [sflag:s29], $0x1  }
0x2b: {  	[sflag:s29] =	ssyncadd.s32 $0xFFFFFFFF  }
0x2c: {  	_ =	strace $0x90000048  }
0x2d: {  	_ =	sfence  }
0x2e: {  	s30 =	sld [smem:$0x0];
	_ =	sdelay $0x2  }
0x2f: {  	s31 =	sshll.u32 s3, $0xD;
	s3 =	sshrl.u32 s3, $0x2  }
0x30: {  	s2 =	sand.u32 $0x4000, s31;
	s1 =	sadd.s32 s3, s30  }
0x31: {  	s0 =	sor.u32 s2, s0;
	s1 =	sshll.u32 s1, $0x11  }
0x32: {  	s0 =	sor.u32 s1, s0  }
0x33: {  	s0 =	sadd.s32 $0x8F2B, s0  }
0x34: {  	[sflag:s0] =	ssyncadd.remote.s32 $0x1  }
0x35: {  	_ =	sfence.sel $0xFFFF  }
0x36: {  	[dreg:$0x0] =	wrdreg $0xFFFFFFFF;
	(pc) =	sbr.abs _section_cstart, $3  }
0x37: {  	[dreg:$0x1] =	wrdreg $0xFFFFFFFF  }
0x38: {  	_ =	task.clear_ibuf [dreg:s6], $0x2FFFF;
	_ =	strace $0x9FFFFFFF  }
0x39: {  	(tm) =	ssettm $0x7FFFFFFF  }
tec
execute0_lowered:
.L_overlay_start_1:
0x0: {  	(tag) =	ssettag $0x1  }
0x1: {  	s0 =	srdreg.scid  }
0x2: {  	s1 =	sshll.u32 s0, $0x4  }
0x3: {  	s0 =	stileid.u32;
	s1 =	sand.u32 $0x10, s1  }
0x4: {  	s6 =	rddreg [dreg:$0x0];
	s2 =	sor.u32 s0, s1  }
0x5: {  	s4 =	simm.s32 $0x1;
	s7 =	simm.s32 $0x2;
	s3 =	ssub.s32 $0x1C, s2  }
0x6: {  	s14 =	simm.s32 $0x0;
	s8 =	simm.s32 $0x800;
	p0 =	sgt.s32 s3, $0x0  }
0x7: {  	s9 =	simm.s32 $0xE000;
	s10 =	simm.s32 $0x0;
	s3 =	simm.s32 @!p0 $0x0  }
.Ltmp0:
0x8: {  	s15 =	simm.s32 $0x0;
	s3 =	sadd.s32 $0x1F, s3;
	(pc) =	sbr.rel .LBB1_1-.Ltmp0, $4  }
0x9: {  	s1 =	rddreg [dreg:$0x1];
	_ =	strace $0x80000047;
	s5 =	sshrl.u32 s3, $0x5  }
0xa: {  	s11 =	simm.s32 $0x0;
	[sflag:s4] =	ssyncpa.u1 $0x0;
	s5 =	smul.u32 $0x1C, s5  }
0xb: {  	s13 =	simm.s32 $0x0;
	s12 =	smov.u32 s2;
	[sflag:s7] =	ssyncpa.u1 $0x0  }
0xc: {  	s3 =	sadd.s32 $0x498C00, s6;
	s6 =	sadd.s32 $0xC00, s6;
	s7 =	sor.u32 $0x1, s5  }
.LBB1_7:
0xd: {  	s16 =	sadd.s32 $0x1, s11  }
0xe: {  	s14 =	sadd.s32 $0x20, s12;
	s18 =	smov.u32 s12;
	p1 =	sgt.s32 s16, $0x1B  }
0xf: {  	s18 =	smov.u32 @p1 s14  }
0x10: {  	s16 =	simm.s32 @p1 $0x0;
	p1 =	sgt.s32 s18, $0x1B  }
0x11: {  	s18 =	smov.u32 @p1 s2;
	p1 =	sne.s32 s13, s7  }
.Ltmp1:
0x12: {  	p0 =	slt.u32 s13, $0x2;
	(pc) =	sbr.rel @!p1 .LBB1_8-.Ltmp1, $4  }
0x13: {  	s17 =	simm.s32 @!p0 $0x2  }
0x14: {  	s15 =	smov.u32 s12;
	s10 =	sadd.s32 $0x4000, s10;
	_ =	swait.ge @!p0 [sflag:s17], $0x4000  }
0x15: {  	s14 =	smov.u32 s11;
	[sflag:s17] =	ssyncset.done @!p0 $0x0;
	s11 =	smov.u32 s16  }
0x16: {  	s13 =	sadd.s32 $0x1, s13;
	[sflag:s17] =	ssyncadd.s32 @!p0 $0xFFFFC000;
	s12 =	smov.u32 s18  }
.LBB1_1:
0x17: {  	p0 =	sge.u32 s13, s5  }
0x18: {  	s16 =	smul.u32 @!p0 $0xE000, s12  }
0x19: {  	s31 =	sadd.s32 $0xFFFFFFFF, s13;
	s17 =	sxor.u32 @!p0 $0xFFFFFFFF, s13  }
0x1a: {  	s18 =	sshll.u32 @!p0 s11, $0xB;
	s17 =	sshll.u32 @!p0 s17, $0xE;
	s16 =	sadd.s32 @!p0 s3, s16  }
0x1b: {  	s17 =	sand.u32 @!p0 $0x4000, s17;
	s16 =	sadd.s32 @!p0 s18, s16;
	s18 =	simm.s32 @!p0 $0x0  }
0x1c: {  	[tilespmem:s17], [sflag:$0x1] =	stream.linear.gather @!p0 [hbm4b:s16+s18], $0x4000, $0x38;
	[tilespmem:$0x10000] =	vst v63  }
0x1d: {  	p0 =	sge.u32 s31, s5  }
.Ltmp2:
0x1e: {  	_ = 	snop;
	(pc) =	sbr.rel @p0 .LBB1_7-.Ltmp2, $1  }
0x1f: {  	_ =	sdelay $0x3  }
0x20: {  	s17 =	sand.u32 $0x4000, s10  }
0x21: {  	_ =	swait.ge [sflag:s4], $0x4000;
	s19 =	sshll.u32 s13, $0xE;
	s16 =	sor.u32 $0x400, s17  }
0x22: {  	s18 =	sor.u32 $0x8470, s17;
	[sflag:s4] =	ssyncset.done $0x0;
	s31 =	sand.u32 $0x4000, s19  }
0x23: {  	s19 =	simm.s32 $0x0;
	[sflag:s4] =	ssyncadd.s32 $0xFFFFC000;
	s17 =	sor.u32 $0x8000, s31  }
.LBB1_3:
0x24: {  	v1 =	vmov s16;
	_ =	sdelay $0x3  }
0x25: {  	s20 =	simm.s32 $0x0  }
0x26: {  	v2 =	vld.idx.msk [tilespmem:v1+s20+$0x70 ss:$0x1], $0xffff  }
0x27: {  	v0 =	vmov s18;
	v3 =	vld.idx.msk [tilespmem:v1+s20+$0xFFFFFC00 ss:$0x1], $0xffff  }
0x28: {  	v4 =	vld.idx.msk [tilespmem:v1+s20+$0xFFFFFC10 ss:$0x1], $0xffff  }
0x29: {  	v5 =	vld.idx.msk [tilespmem:v1+s20+$0xFFFFFC20 ss:$0x1], $0xffff  }
0x2a: {  	v6 =	vld.idx.msk [tilespmem:v1+s20+$0xFFFFFC30 ss:$0x1], $0xffff  }
0x2b: {  	v7 =	vld.idx.msk [tilespmem:v1+s20+$0xFFFFFC40 ss:$0x1], $0xffff  }
0x2c: {  	v8 =	vld.idx.msk [tilespmem:v1+s20+$0xFFFFFC50 ss:$0x1], $0xffff;
	[tilespmem:v0+s20+$0x0 ss:$0x1] =	vst.idx.msk $0xffff, v2  }
0x2d: {  	v9 =	vld.idx.msk [tilespmem:v1+s20+$0xFFFFFC60 ss:$0x1], $0xffff;
	[tilespmem:v0+s20+$0xFFFFFB90 ss:$0x1] =	vst.idx.msk $0xffff, v3  }
0x2e: {  	v10 =	vld.idx.msk [tilespmem:v1+s20+$0xFFFFFC70 ss:$0x1], $0xffff;
	[tilespmem:v0+s20+$0xFFFFFBA0 ss:$0x1] =	vst.idx.msk $0xffff, v4  }
0x2f: {  	v11 =	vld.idx.msk [tilespmem:v1+s20+$0x0 ss:$0x1], $0xffff;
	[tilespmem:v0+s20+$0xFFFFFBB0 ss:$0x1] =	vst.idx.msk $0xffff, v5  }
0x30: {  	[tilespmem:v0+s20+$0xFFFFFBC0 ss:$0x1] =	vst.idx.msk $0xffff, v6;
	v2 =	vld.idx.msk [tilespmem:v1+s20+$0x10 ss:$0x1], $0xffff  }
0x31: {  	[tilespmem:v0+s20+$0xFFFFFBD0 ss:$0x1] =	vst.idx.msk $0xffff, v7;
	v3 =	vld.idx.msk [tilespmem:v1+s20+$0x20 ss:$0x1], $0xffff  }
0x32: {  	[tilespmem:v0+s20+$0xFFFFFBE0 ss:$0x1] =	vst.idx.msk $0xffff, v8;
	v4 =	vld.idx.msk [tilespmem:v1+s20+$0x30 ss:$0x1], $0xffff  }
0x33: {  	[tilespmem:v0+s20+$0xFFFFFBF0 ss:$0x1] =	vst.idx.msk $0xffff, v9;
	v5 =	vld.idx.msk [tilespmem:v1+s20+$0x40 ss:$0x1], $0xffff  }
0x34: {  	[tilespmem:v0+s20+$0xFFFFFC00 ss:$0x1] =	vst.idx.msk $0xffff, v10;
	v6 =	vld.idx.msk [tilespmem:v1+s20+$0x50 ss:$0x1], $0xffff  }
0x35: {  	s21 =	simm.s32 $0x80;
	s22 =	simm.s32 $0x400;
	[tilespmem:v0+s20+$0xFFFFFF90 ss:$0x1] =	vst.idx.msk $0xffff, v11;
	v7 =	vld.idx.msk [tilespmem:v1+s20+$0x60 ss:$0x1], $0xffff  }
.LBB1_4:
0x36: {  	p0 =	sne.s32 s22, $0xE00;
	v8 =	vld.idx.msk [tilespmem:v1+s21+$0x70 ss:$0x1], $0xffff;
	[tilespmem:v0+s20+$0xFFFFFFA0 ss:$0x1] =	vst.idx.msk $0xffff, v2  }
0x37: {  	v2 =	vld.idx.msk [tilespmem:v1+s21+$0xFFFFFC00 ss:$0x1], $0xffff;
	[tilespmem:v0+s20+$0xFFFFFFB0 ss:$0x1] =	vst.idx.msk $0xffff, v3  }
0x38: {  	v3 =	vld.idx.msk [tilespmem:v1+s21+$0xFFFFFC10 ss:$0x1], $0xffff;
	[tilespmem:v0+s20+$0xFFFFFFC0 ss:$0x1] =	vst.idx.msk $0xffff, v4  }
0x39: {  	v4 =	vld.idx.msk [tilespmem:v1+s21+$0xFFFFFC20 ss:$0x1], $0xffff;
	[tilespmem:v0+s20+$0xFFFFFFD0 ss:$0x1] =	vst.idx.msk $0xffff, v5  }
0x3a: {  	v5 =	vld.idx.msk [tilespmem:v1+s21+$0xFFFFFC30 ss:$0x1], $0xffff;
	[tilespmem:v0+s20+$0xFFFFFFE0 ss:$0x1] =	vst.idx.msk $0xffff, v6  }
0x3b: {  	v6 =	vld.idx.msk [tilespmem:v1+s21+$0xFFFFFC40 ss:$0x1], $0xffff;
	[tilespmem:v0+s20+$0xFFFFFFF0 ss:$0x1] =	vst.idx.msk $0xffff, v7;
	s20 =	smov.u32 s21  }
0x3c: {  	v7 =	vld.idx.msk [tilespmem:v1+s20+$0xFFFFFC50 ss:$0x1], $0xffff;
	[tilespmem:v0+s20+$0x0 ss:$0x1] =	vst.idx.msk $0xffff, v8  }
0x3d: {  	[tilespmem:v0+s20+$0xFFFFFB90 ss:$0x1] =	vst.idx.msk $0xffff, v2;
	v8 =	vld.idx.msk [tilespmem:v1+s20+$0xFFFFFC60 ss:$0x1], $0xffff  }
0x3e: {  	[tilespmem:v0+s20+$0xFFFFFBA0 ss:$0x1] =	vst.idx.msk $0xffff, v3;
	v9 =	vld.idx.msk [tilespmem:v1+s20+$0xFFFFFC70 ss:$0x1], $0xffff  }
0x3f: {  	[tilespmem:v0+s20+$0xFFFFFBB0 ss:$0x1] =	vst.idx.msk $0xffff, v4;
	v10 =	vld.idx.msk [tilespmem:v1+s20+$0x0 ss:$0x1], $0xffff  }
0x40: {  	[tilespmem:v0+s20+$0xFFFFFBC0 ss:$0x1] =	vst.idx.msk $0xffff, v5;
	v2 =	vld.idx.msk [tilespmem:v1+s20+$0x10 ss:$0x1], $0xffff  }
.Ltmp3:
0x41: {  	[tilespmem:v0+s20+$0xFFFFFBD0 ss:$0x1] =	vst.idx.msk $0xffff, v6;
	v3 =	vld.idx.msk [tilespmem:v1+s20+$0x20 ss:$0x1], $0xffff;
	(pc) =	sbr.rel @p0 .LBB1_4-.Ltmp3, $4  }
0x42: {  	[tilespmem:v0+s20+$0xFFFFFBE0 ss:$0x1] =	vst.idx.msk $0xffff, v7;
	v4 =	vld.idx.msk [tilespmem:v1+s20+$0x30 ss:$0x1], $0xffff  }
0x43: {  	[tilespmem:v0+s20+$0xFFFFFBF0 ss:$0x1] =	vst.idx.msk $0xffff, v8;
	v5 =	vld.idx.msk [tilespmem:v1+s20+$0x40 ss:$0x1], $0xffff  }
0x44: {  	[tilespmem:v0+s20+$0xFFFFFC00 ss:$0x1] =	vst.idx.msk $0xffff, v9;
	v6 =	vld.idx.msk [tilespmem:v1+s20+$0x50 ss:$0x1], $0xffff  }
0x45: {  	s21 =	sshra.s32 s22, $0x2;
	s22 =	sadd.s32 $0x200, s22;
	[tilespmem:v0+s20+$0xFFFFFF90 ss:$0x1] =	vst.idx.msk $0xffff, v10;
	v7 =	vld.idx.msk [tilespmem:v1+s20+$0x60 ss:$0x1], $0xffff  }
0x46: {  	_ =	sdelay $0x3  }
0x47: {  	[tilespmem:v0+s20+$0xFFFFFFA0 ss:$0x1] =	vst.idx.msk $0xffff, v2  }
0x48: {  	v48 =	vld.idx.msk [tilespmem:v1+s21+$0x70 ss:$0x1], $0xffff;
	[tilespmem:v0+s20+$0xFFFFFFB0 ss:$0x1] =	vst.idx.msk $0xffff, v3  }
0x49: {  	v49 =	vld.idx.msk [tilespmem:v1+s21+$0xFFFFFC00 ss:$0x1], $0xffff;
	[tilespmem:v0+s20+$0xFFFFFFC0 ss:$0x1] =	vst.idx.msk $0xffff, v4  }
0x4a: {  	v50 =	vld.idx.msk [tilespmem:v1+s21+$0xFFFFFC10 ss:$0x1], $0xffff;
	[tilespmem:v0+s20+$0xFFFFFFD0 ss:$0x1] =	vst.idx.msk $0xffff, v5  }
0x4b: {  	v51 =	vld.idx.msk [tilespmem:v1+s21+$0xFFFFFC20 ss:$0x1], $0xffff;
	[tilespmem:v0+s20+$0xFFFFFFE0 ss:$0x1] =	vst.idx.msk $0xffff, v6  }
0x4c: {  	v52 =	vld.idx.msk [tilespmem:v1+s21+$0xFFFFFC30 ss:$0x1], $0xffff;
	[tilespmem:v0+s20+$0xFFFFFFF0 ss:$0x1] =	vst.idx.msk $0xffff, v7  }
0x4d: {  	v53 =	vld.idx.msk [tilespmem:v1+s21+$0xFFFFFC40 ss:$0x1], $0xffff;
	[tilespmem:v0+s21+$0x0 ss:$0x1] =	vst.idx.msk $0xffff, v48  }
0x4e: {  	v54 =	vld.idx.msk [tilespmem:v1+s21+$0xFFFFFC50 ss:$0x1], $0xffff;
	[tilespmem:v0+s21+$0xFFFFFB90 ss:$0x1] =	vst.idx.msk $0xffff, v49  }
0x4f: {  	v55 =	vld.idx.msk [tilespmem:v1+s21+$0xFFFFFC60 ss:$0x1], $0xffff;
	[tilespmem:v0+s21+$0xFFFFFBA0 ss:$0x1] =	vst.idx.msk $0xffff, v50  }
0x50: {  	v56 =	vld.idx.msk [tilespmem:v1+s21+$0xFFFFFC70 ss:$0x1], $0xffff;
	[tilespmem:v0+s21+$0xFFFFFBB0 ss:$0x1] =	vst.idx.msk $0xffff, v51  }
0x51: {  	v57 =	vld.idx.msk [tilespmem:v1+s21+$0x0 ss:$0x1], $0xffff;
	[tilespmem:v0+s21+$0xFFFFFBC0 ss:$0x1] =	vst.idx.msk $0xffff, v52  }
0x52: {  	v58 =	vld.idx.msk [tilespmem:v1+s21+$0x10 ss:$0x1], $0xffff;
	[tilespmem:v0+s21+$0xFFFFFBD0 ss:$0x1] =	vst.idx.msk $0xffff, v53  }
0x53: {  	v59 =	vld.idx.msk [tilespmem:v1+s21+$0x20 ss:$0x1], $0xffff;
	[tilespmem:v0+s21+$0xFFFFFBE0 ss:$0x1] =	vst.idx.msk $0xffff, v54  }
0x54: {  	v60 =	vld.idx.msk [tilespmem:v1+s21+$0x30 ss:$0x1], $0xffff;
	[tilespmem:v0+s21+$0xFFFFFBF0 ss:$0x1] =	vst.idx.msk $0xffff, v55  }
0x55: {  	v61 =	vld.idx.msk [tilespmem:v1+s21+$0x40 ss:$0x1], $0xffff;
	[tilespmem:v0+s21+$0xFFFFFC00 ss:$0x1] =	vst.idx.msk $0xffff, v56  }
0x56: {  	v62 =	vld.idx.msk [tilespmem:v1+s21+$0x50 ss:$0x1], $0xffff;
	s19 =	sadd.s32 $0x1, s19;
	[tilespmem:v0+s21+$0xFFFFFF90 ss:$0x1] =	vst.idx.msk $0xffff, v57  }
0x57: {  	v63 =	vld.idx.msk [tilespmem:v1+s21+$0x60 ss:$0x1], $0xffff;
	p0 =	sne.s32 s19, $0x8;
	[tilespmem:v0+s21+$0xFFFFFFA0 ss:$0x1] =	vst.idx.msk $0xffff, v58  }
.Ltmp4:
0x58: {  	[tilespmem:v0+s21+$0xFFFFFFB0 ss:$0x1] =	vst.idx.msk $0xffff, v59;
	(pc) =	sbr.rel @p0 .LBB1_3-.Ltmp4, $4  }
0x59: {  	[tilespmem:v0+s21+$0xFFFFFFC0 ss:$0x1] =	vst.idx.msk $0xffff, v60  }
0x5a: {  	[tilespmem:v0+s21+$0xFFFFFFD0 ss:$0x1] =	vst.idx.msk $0xffff, v61  }
0x5b: {  	[tilespmem:v0+s21+$0xFFFFFFE0 ss:$0x1] =	vst.idx.msk $0xffff, v62  }
0x5c: {  	s16 =	sadd.s32 $0x800, s16;
	s18 =	sadd.s32 $0x800, s18;
	[tilespmem:v0+s21+$0xFFFFFFF0 ss:$0x1] =	vst.idx.msk $0xffff, v63  }
0x5d: {  	s15 =	smul.u32 $0xE000, s15  }
.Ltmp5:
0x5e: {  	_ = 	snop;
	(pc) =	sbr.rel .LBB1_7-.Ltmp5, $4  }
0x5f: {  	_ = 	snop  }
0x60: {  	s14 =	sshll.u32 s14, $0x8;
	s15 =	sadd.s32 s6, s15  }
0x61: {  	s14 =	sadd.s32 s14, s15  }
0x62: {  	[hbm4b:s14+s8] =	stream.strided.scatter [tilespmem:s17], [sflag:$0x2], $0x4000, s9, s8, $0x38;
	[tilespmem:$0x10000] =	vst v63  }
.LBB1_8:
0x63: {  	_ =	sfence.sel $0x180000  }
0x64: {  	s2 =	simm.s32 $0x1;
	[bflag:$0x0] =	sbarrier.arrive $0xFFFF  }
0x65: {  	s31 =	simm.s32 $0x2;
	[sflag:s2] =	ssyncpa.u1 $0x1  }
0x66: {  	[sflag:s31] =	ssyncpa.u1 $0x1  }
0x67: {  	p0 =	sne.s32 s0, $0x0;
	_ =	strace $0x90000047  }
0x68: {  	s0 =	sadd.s32 @!p0 $0x100000, s1;
	[bflag:$0x2] =	sbarrier.arrive $0xFFFF  }
0x69: {  	[sflag:s0] =	ssyncadd.tile.s32 @!p0 $0x1;
	_ =	shalt  }
.Lfunc_end1:
_tile_overlayer_lowered:
.L_overlay_start_2:
0x6a: {  	(tag) =	ssettag $0x2  }
0x6b: {  	s0 =	rddreg [dreg:$0x0];
	s2 =	stileid.u32  }
0x6c: {  	s1 =	rddreg [dreg:$0x1];
	p0 =	sne.s32 s2, $0x0  }
0x6d: {  	s3 =	rddreg [dreg:$0x2];
	[bflag:$0x3] =	sbarrier.arrive $0xFFFF;
	s2 =	simm.s32 @!p0 $0x1C01  }
0x6e: {  	[timem:s3], [sflag:s2] =	dma.local @!p0 [hbm:s0], s1  }
0x6f: {  	s0 =	simm.s32 @!p0 $0x1  }
0x70: {  	_ =	swait.ge @!p0 [sflag:s0], s1  }
0x71: {  	s1 =	ssub.s32 @!p0 $0x0, s1;
	[sflag:s0] =	ssyncset.done @!p0 $0x0  }
0x72: {  	[sflag:s0] =	ssyncadd.s32 @!p0 s1  }
0x73: {  	[bflag:$0x3] =	sbarrier.arrive $0xFFFF  }
0x74: {  	_ =	shalt  }

// kernel: sparse-core-data-format-call.cloned.1.call-start
scs
called_computation_lowered:
.L_overlay_start_0:
0x0: {  	s2 =	sld [smem:$0x3FD9]  }
0x1: {  	s3 =	sld [smem:$0x3FFE];
	_ =	sdelay $0x1  }
0x2: {  	s1 =	srdreg.scid  }
0x3: {  	s0 =	sand.u32 $0x1, s1  }
0x4: {  	s18 =	sshll.u32 s0, $0xA;
	s2 =	sadd.s32 s3, s2  }
0x5: {  	s2 =	sadd.s32 s2, s18  }
0x6: {  	[smem:$0x3FC6] =	sst s2  }
0x7: {  	_ = 	snop  }
0x8: {  	s2 =	sld [smem:$0x3FD0];
	(tm) =	ssettm $0x1  }
0x9: {  	s19 =	sld [smem:$0x3FFB];
	_ =	sdelay $0x3  }
0xa: {  	_ =	strace s19  }
0xb: {  	s3 =	sld [smem:$0x3FFC];
	_ =	sdelay $0x3  }
0xc: {  	_ =	strace s3  }
0xd: {  	s3 =	sld [smem:$0x3FFD];
	_ =	sdelay $0x3  }
0xe: {  	_ =	strace s3  }
0xf: {  	_ =	strace $0x8FFFFFFF  }
0x10: {  	s20 =	sld [smem:$0x3FDB];
	_ =	sdelay $0x1  }
0x11: {  	s4 =	simm.s32 $_scs_section_size  }
0x12: {  	s5 =	simm.s32 $_size__tile_overlayer_lowered;
	s6 =	simm.s32 $_tile_overlayer_lowered  }
0x13: {  	s23 =	simm.s32 $0x1BFF;
	s22 =	sshll.u32 s6, $0x1;
	s3 =	sadd.s32 s4, s20  }
0x14: {  	s7 =	simm.s32 $0x0;
	s21 =	sshll.u32 s5, $0x1;
	s5 =	sadd.s32 s22, s3  }
0x15: {  	[timem:s7], [sflag:s23] =	dma.local [hbm:s5], s21  }
0x16: {  	_ =	swait.ge [sflag:s23], s21  }
0x17: {  	s4 =	ssub.s32 $0x0, s21;
	[sflag:s23] =	ssyncset.done $0x0  }
0x18: {  	[sflag:s23] =	ssyncadd.s32 s4;
	_ =	sdelay $0x1  }
0x19: {  	s24 =	simm.s32 $0x1B8B  }
0x1a: {  	_ =	swait.ge [sflag:s24], $0x1  }
0x1b: {  	[sflag:s24] =	ssyncset.done $0x0  }
0x1c: {  	s26 =	simm.s32 $0x1B8E;
	s25 =	sld [smem:$0x3FFE];
	[sflag:s24] =	ssyncadd.s32 $0xFFFFFFFF  }
0x1d: {  	s27 =	simm.s32 $execute0_lowered;
	[smem:$0x3FD2] =	sst s26  }
0x1e: {  	s5 =	sshll.u32 s27, $0x1;
	_ =	strace $0x80000049;
	[dreg:$0x1] =	wrdreg $0xFFFFFFFF  }
0x1f: {  	s28 =	simm.s32 $_size_execute0_lowered;
	s3 =	sadd.s32 s3, s5;
	[dreg:$0x0] =	wrdreg $0x0  }
0x20: {  	s5 =	sshll.u32 s28, $0x1;
	[dreg:$0x2] =	wrdreg s3  }
0x21: {  	[dreg:$0x3] =	wrdreg s5  }
0x22: {  	[dreg:$0x4] =	wrdreg $0xC0  }
0x23: {  	_ =	task [dreg:s7], $0x5FFFF  }
0x24: {  	[dreg:$0x1] =	wrdreg $0xFFFFFFFF  }
0x25: {  	[dreg:$0x0] =	wrdreg $0x60  }
0x26: {  	[dreg:$0x2] =	wrdreg s25  }
0x27: {  	[dreg:$0x3] =	wrdreg s2  }
0x28: {  	[dreg:$0x4] =	wrdreg $0x9  }
0x29: {  	_ =	task.clear_ibuf [dreg:s7], $0x5FFFF;
	_ =	strace $0x90000049  }
0x2a: {  	s29 =	simm.s32 $0x9;
	_ =	strace $0x8000004B  }
0x2b: {  	_ =	swait.ge [sflag:s29], $0x1  }
0x2c: {  	[sflag:s29] =	ssyncadd.s32 $0xFFFFFFFF  }
0x2d: {  	_ =	strace $0x9000004B  }
0x2e: {  	_ =	sfence  }
0x2f: {  	s30 =	sld [smem:$0x0];
	_ =	sdelay $0x2  }
0x30: {  	s31 =	sshll.u32 s1, $0xD;
	s1 =	sshrl.u32 s1, $0x2  }
0x31: {  	s3 =	sand.u32 $0x4000, s31;
	s1 =	sadd.s32 s1, s30  }
0x32: {  	s0 =	sor.u32 s3, s0;
	s1 =	sshll.u32 s1, $0x11  }
0x33: {  	s0 =	sor.u32 s1, s0  }
0x34: {  	s0 =	sadd.s32 $0x8F2B, s0  }
0x35: {  	[sflag:s0] =	ssyncadd.remote.s32 $0x1  }
0x36: {  	_ =	sfence.sel $0xFFFF  }
0x37: {  	[dreg:$0x0] =	wrdreg $0xFFFFFFFF;
	(pc) =	sbr.abs _section_cstart, $3  }
0x38: {  	[dreg:$0x1] =	wrdreg $0xFFFFFFFF  }
0x39: {  	_ =	task.clear_ibuf [dreg:s7], $0x2FFFF;
	_ =	strace $0x9FFFFFFF  }
0x3a: {  	(tm) =	ssettm $0x7FFFFFFF  }
0x3b: {  	_ =	shalt  }
tec
execute0_lowered:
.L_overlay_start_1:
0x0: {  	(tag) =	ssettag $0x1  }
0x1: {  	s0 =	rddreg [dreg:$0x0]  }
0x2: {  	_ =	strace $0x8000004A;
	s30 =	srdreg.scid;
	s2 =	stileid.u32  }
0x3: {  	s1 =	simm.s32 $0x1;
	s31 =	simm.s32 $0x2;
	s16 =	simm.s32 $0x0  }
0x4: {  	s17 =	simm.s32 $0x0;
	s18 =	simm.s32 $0x0;
	s9 =	simm.s32 $0x0  }
.Ltmp0:
0x5: {  	s11 =	simm.s32 $0x0;
	s13 =	simm.s32 $0x0;
	(pc) =	sbr.rel .LBB1_1-.Ltmp0, $4  }
0x6: {  	s12 =	simm.s32 $0x0;
	s7 =	sadd.s32 $0xC00, s0;
	s0 =	sshll.u32 s30, $0x4  }
0x7: {  	s14 =	simm.s32 $0x0;
	s10 =	simm.s32 $0x0;
	s0 =	sand.u32 $0x10, s0  }
0x8: {  	[sflag:s1] =	ssyncpa.u1 $0x0;
	[dreg:$0x3] =	wrdreg s7;
	s8 =	sor.u32 s2, s0  }
0x9: {  	[sflag:s31] =	ssyncpa.u1 $0x0;
	s15 =	smov.u32 s8;
	[dreg:$0x4] =	wrdreg s8  }
.LBB1_14:
0xa: {  	s9 =	rddreg [dreg:$0x5]  }
0xb: {  	s11 =	rddreg [dreg:$0x7]  }
0xc: {  	s4 =	rddreg [dreg:$0x10]  }
0xd: {  	s5 =	rddreg [dreg:$0x11]  }
0xe: {  	s6 =	rddreg [dreg:$0xf]  }
0xf: {  	s13 =	rddreg [dreg:$0x9]  }
0x10: {  	s27 =	rddreg [dreg:$0x1]  }
0x11: {  	s7 =	rddreg [dreg:$0x3]  }
0x12: {  	s8 =	rddreg [dreg:$0x4]  }
0x13: {  	s10 =	rddreg [dreg:$0x6]  }
0x14: {  	s12 =	rddreg [dreg:$0x8]  }
0x15: {  	s14 =	rddreg [dreg:$0xa]  }
0x16: {  	s15 =	rddreg [dreg:$0xb]  }
0x17: {  	s16 =	rddreg [dreg:$0xc]  }
0x18: {  	s17 =	rddreg [dreg:$0xd]  }
0x19: {  	s31 =	simm.s32 $0x800;
	s18 =	rddreg [dreg:$0xe];
	s0 =	sshll.u32 s9, $0x8  }
0x1a: {  	s1 =	sshll.u32 s11, $0x3;
	s2 =	sshll.u32 s9, $0x7;
	p0 =	sgt.s32 s11, $0x80  }
0x1b: {  	s3 =	smov.u32 s11;
	s25 =	sand.u32 $0x78, s11;
	s26 =	smul.u32 $0x1800, s13  }
0x1c: {  	s0 =	sand.u32 $0xFFFFF800, s0;
	s1 =	sand.u32 $0xFFFFFC00, s1;
	s21 =	sand.u32 $0x300, s2  }
0x1d: {  	s3 =	simm.s32 @!p0 $0x80;
	p0 =	sgt.s32 s9, $0x40;
	s2 =	sand.u32 $0x80, s2  }
0x1e: {  	s0 =	sadd.s32 s1, s0;
	s1 =	smov.u32 s9;
	s3 =	sadd.s32 s4, s3  }
0x1f: {  	s0 =	sor.u32 s21, s0;
	s1 =	simm.s32 @!p0 $0x40;
	s23 =	sadd.s32 $0xFFFFFF80, s3  }
0x20: {  	s3 =	ssub.s32 $0x100, s3;
	s0 =	sshrl.u32 s0, $0x8;
	p0 =	sgt.s32 s23, $0x7F  }
0x21: {  	s1 =	sadd.s32 s5, s1;
	s22 =	smulhi.u32 $0x1555556, s0;
	s3 =	simm.s32 @p0 $0x0  }
0x22: {  	s2 =	sor.u32 s25, s2;
	s24 =	sadd.s32 $0xFFFFFFC0, s1;
	s3 =	smul.u32 s6, s3  }
0x23: {  	s1 =	ssub.s32 $0xC0, s1;
	p0 =	sgt.s32 s24, $0x7F;
	s4 =	smul.u32 $0xC0, s22  }
0x24: {  	s28 =	sand.u32 $0x7, s11;
	s2 =	sshrl.u32 s2, $0x3;
	s1 =	simm.s32 @p0 $0x0  }
0x25: {  	s1 =	smul.u32 s1, s3;
	s3 =	sadd.s32 s27, s26;
	s0 =	ssub.s32 s0, s4  }
0x26: {  	s29 =	sshll.u32 s28, $0x12;
	s2 =	sadd.s32 s2, s3;
	s0 =	sshll.u32 s0, $0x5  }
0x27: {  	s30 =	sor.u32 $0x400, s29;
	s1 =	sand.u32 $0x3FFFFFFF, s1;
	s0 =	sadd.s32 s0, s2  }
0x28: {  	[hbm4b:s0+s30] =	stream.strided.scatter [tilespmem:s20], [sflag:$0x2], s1, s31, s30, $0x20;
	[tilespmem:$0x10100] =	vst v63  }
.LBB1_15:
0x29: {  	p0 =	slt.u32 s10, $0x2  }
0x2a: {  	p1 =	sgt.s32 @!p0 s18, $0xDF  }
0x2b: {  	s0 =	smov.u32 s18;
	s1 =	sshra.s32 @!p0 s18, $0x1F;
	p1 =	por !p1, p0  }
0x2c: {  	s1 =	sand.u32 @!p0 s1, s18;
	s0 =	simm.s32 @p1 $0xDF  }
0x2d: {  	s3 =	smov.u32 s16;
	s0 =	ssub.s32 @!p0 s0, s1  }
0x2e: {  	p2 =	sgt.s32 @!p0 s17, $0x80;
	s2 =	sshra.s32 @!p0 s17, $0x1F;
	s1 =	sadd.s32 @!p0 $0xFFFFFF21, s0  }
0x2f: {  	p2 =	por !p2, p0;
	p1 =	sgt.s32 @!p0 s1, $0x0;
	s1 =	smov.u32 s17  }
0x30: {  	s2 =	sand.u32 @!p0 s2, s17;
	s1 =	simm.s32 @p2 $0x80;
	p2 =	sgt.s32 @!p0 s16, $0x40  }
0x31: {  	s0 =	ssub.s32 @!p0 $0xE0, s0;
	p1 =	por !p1, p0;
	p2 =	por !p2, p0  }
0x32: {  	s1 =	ssub.s32 @!p0 s1, s2;
	s2 =	sshra.s32 @!p0 s16, $0x1F;
	s0 =	simm.s32 @!p1 $0x0  }
0x33: {  	s3 =	simm.s32 @p2 $0x40;
	s2 =	sand.u32 @!p0 s2, s16;
	s4 =	sadd.s32 @!p0 $0xFFFFFF80, s1  }
0x34: {  	s1 =	ssub.s32 @!p0 $0x100, s1;
	s2 =	ssub.s32 @!p0 s3, s2;
	p1 =	sgt.s32 @!p0 s4, $0x7F  }
0x35: {  	s4 =	smov.u32 s14;
	s3 =	sadd.s32 @!p0 $0xFFFFFFC0, s2;
	p1 =	por !p1, p0  }
0x36: {  	s2 =	ssub.s32 @!p0 $0xC0, s2;
	p2 =	sgt.s32 @!p0 s3, $0x7F;
	s1 =	simm.s32 @!p1 $0x0  }
0x37: {  	p1 =	por !p2, p0;
	s0 =	smul.u32 @!p0 s0, s1;
	s1 =	sadd.s32 $0x80, s12  }
0x38: {  	s3 =	sadd.s32 $0x80, s14;
	s2 =	simm.s32 @!p1 $0x0;
	p1 =	sgt.s32 s1, $0xBF  }
0x39: {  	s0 =	smul.u32 @!p0 s2, s0;
	s4 =	smov.u32 @p1 s3  }
0x3a: {  	s2 =	sadd.s32 $0x20, s15;
	s3 =	smov.u32 s15;
	p2 =	sgt.s32 s4, $0xDF  }
0x3b: {  	s10 =	sadd.s32 $0x1, s10;
	s3 =	smov.u32 @p2 s2  }
0x3c: {  	s18 =	smov.u32 s13;
	s1 =	simm.s32 @p1 $0x0;
	p1 =	sgt.s32 s3, $0xDF  }
0x3d: {  	s13 =	smov.u32 s15;
	s3 =	smov.u32 @p1 s8;
	p1 =	sne.s32 s10, $0x1E  }
.Ltmp1:
0x3e: {  	s17 =	smov.u32 s11;
	s11 =	smov.u32 s14;
	(pc) =	sbr.rel @!p1 .LBB1_16-.Ltmp1, $4  }
0x3f: {  	s16 =	smov.u32 s9;
	s0 =	sand.u32 @!p0 $0x3FFFFFFF, s0;
	s2 =	simm.s32 @!p0 $0x2  }
0x40: {  	s9 =	smov.u32 s12;
	s12 =	smov.u32 s1;
	_ =	swait.ge @!p0 [sflag:s2], s0  }
0x41: {  	s4 =	simm.s32 @p2 $0x0;
	s0 =	ssub.s32 @!p0 $0x0, s0;
	[sflag:s2] =	ssyncset.done @!p0 $0x0  }
0x42: {  	s14 =	smov.u32 s4;
	[sflag:s2] =	ssyncadd.s32 @!p0 s0;
	s15 =	smov.u32 s3  }
.LBB1_1:
0x43: {  	p0 =	sgt.u32 s10, $0x1B  }
0x44: {  	s2 =	smov.u32 s15;
	s0 =	sshll.u32 @!p0 s14, $0x8;
	s1 =	sshll.u32 @!p0 s12, $0x3  }
0x45: {  	p1 =	sgt.s32 @!p0 s15, $0xDF;
	s3 =	sshra.s32 @!p0 s15, $0x1F;
	s4 =	sshll.u32 @!p0 s14, $0x7  }
0x46: {  	p2 =	sgt.s32 @!p0 s14, $0x60;
	s5 =	sshra.s32 @!p0 s12, $0x1F;
	s0 =	sand.u32 @!p0 $0xFFFFF800, s0  }
0x47: {  	s1 =	sand.u32 @!p0 $0xFFFFFC00, s1;
	p1 =	por !p1, p0;
	s3 =	sand.u32 @!p0 s3, s15  }
0x48: {  	p2 =	por !p2, p0;
	s5 =	sand.u32 @!p0 s5, s12;
	s2 =	simm.s32 @p1 $0xDF  }
0x49: {  	s0 =	sadd.s32 @!p0 s0, s1;
	s1 =	sand.u32 @!p0 $0x300, s4;
	s2 =	ssub.s32 @!p0 s2, s3  }
0x4a: {  	s0 =	sor.u32 @!p0 s1, s0;
	s3 =	sshra.s32 @!p0 s14, $0x1F;
	s1 =	sadd.s32 @!p0 $0xFFFFFF21, s2  }
0x4b: {  	p1 =	sgt.s32 @!p0 s1, $0x0;
	s1 =	ssub.s32 @!p0 $0xE0, s2;
	s2 =	smov.u32 s14  }
0x4c: {  	s3 =	sand.u32 @!p0 s3, s14;
	s2 =	simm.s32 @p2 $0x60;
	p2 =	sgt.s32 @!p0 s12, $0x80  }
0x4d: {  	s2 =	ssub.s32 @!p0 s2, s3;
	p2 =	por !p2, p0;
	s3 =	smov.u32 s12  }
0x4e: {  	p1 =	por !p1, p0;
	s6 =	sadd.s32 @!p0 $0xFFFFFFA0, s2;
	s3 =	simm.s32 @p2 $0x80  }
0x4f: {  	s1 =	simm.s32 @!p1 $0x0;
	p2 =	sgt.s32 @!p0 s6, $0x7F;
	s3 =	ssub.s32 @!p0 s3, s5  }
0x50: {  	s2 =	ssub.s32 @!p0 $0xE0, s2;
	p1 =	por !p2, p0;
	s5 =	sadd.s32 @!p0 $0xFFFFFF80, s3  }
0x51: {  	s0 =	sshrl.u32 @!p0 s0, $0x8;
	s2 =	simm.s32 @!p1 $0x0;
	p1 =	sgt.s32 @!p0 s5, $0x7F  }
0x52: {  	s1 =	smul.u32 @!p0 s1, s2;
	s2 =	ssub.s32 @!p0 $0x100, s3;
	p1 =	por !p1, p0  }
0x53: {  	s3 =	smulhi.u32 @!p0 $0x124924A, s0;
	s2 =	simm.s32 @!p1 $0x0  }
0x54: {  	s4 =	sand.u32 @!p0 $0x80, s4;
	s1 =	smul.u32 @!p0 s2, s1  }
0x55: {  	s5 =	sxor.u32 @!p0 $0xFFFFFFFF, s10;
	s2 =	sand.u32 @!p0 $0x78, s12;
	s3 =	smul.u32 @!p0 $0xE0, s3  }
0x56: {  	s5 =	sshll.u32 @!p0 s5, $0xE;
	s2 =	sor.u32 @!p0 s2, s4;
	s4 =	smul.u32 @!p0 $0x1C00, s15  }
0x57: {  	s5 =	sand.u32 @!p0 $0x4000, s5;
	s0 =	ssub.s32 @!p0 s0, s3;
	s1 =	sand.u32 @!p0 $0x3FFFFFFF, s1  }
0x58: {  	s2 =	sshrl.u32 @!p0 s2, $0x3;
	s3 =	sadd.s32 @!p0 s7, s4;
	s4 =	sand.u32 @!p0 $0x7, s12  }
0x59: {  	s0 =	sshll.u32 @!p0 s0, $0x5;
	s2 =	sadd.s32 @!p0 s2, s3;
	s3 =	sshll.u32 @!p0 s4, $0x12  }
0x5a: {  	s0 =	sadd.s32 @!p0 s0, s2;
	s2 =	sor.u32 @!p0 $0x400, s3;
	s3 =	simm.s32 @!p0 $0x800  }
0x5b: {  	[tilespmem:s5], [sflag:$0x1] =	stream.strided.gather @!p0 [hbm4b:s0+s2], s1, s3, s2, $0x38;
	[tilespmem:$0x10100] =	vst v63  }
0x5c: {  	p0 =	seq.s32 s10, $0x0  }
0x5d: {  	p1 =	seq.s32 @!p0 s10, $0x1D  }
0x5e: {  	p0 =	por p0, p1  }
.Ltmp2:
0x5f: {  	_ = 	snop;
	(pc) =	sbr.rel @p0 .LBB1_15-.Ltmp2, $1  }
0x60: {  	_ =	sdelay $0x3  }
0x61: {  	[dreg:$0xe] =	wrdreg s18  }
0x62: {  	[dreg:$0xd] =	wrdreg s17  }
0x63: {  	[dreg:$0xc] =	wrdreg s16  }
0x64: {  	[dreg:$0xb] =	wrdreg s15  }
0x65: {  	[dreg:$0xa] =	wrdreg s14  }
0x66: {  	[dreg:$0x8] =	wrdreg s12;
	p0 =	sgt.s32 s13, $0xDF  }
0x67: {  	s0 =	smov.u32 s13;
	s1 =	sshra.s32 s13, $0x1F;
	s24 =	ssub.s32 $0x0, s11  }
0x68: {  	s2 =	sshra.s32 s11, $0x1F;
	s3 =	smov.u32 s11;
	s26 =	ssub.s32 $0x0, s9  }
0x69: {  	s27 =	sshra.s32 s9, $0x1F;
	p1 =	sgt.s32 s9, $0x80;
	[dreg:$0x5] =	wrdreg s9  }
0x6a: {  	[dreg:$0x6] =	wrdreg s10;
	s0 =	simm.s32 @!p0 $0xDF;
	s1 =	sand.u32 s1, s13  }
0x6b: {  	p0 =	sgt.s32 s11, $0x60;
	s0 =	ssub.s32 s0, s1;
	s1 =	sand.u32 s24, s2  }
0x6c: {  	s3 =	simm.s32 @!p0 $0x60;
	s2 =	sadd.s32 $0x1, s13;
	s4 =	sadd.s32 $0xFFFFFF21, s0  }
0x6d: {  	s5 =	ssub.s32 $0xE0, s0;
	s25 =	sadd.s32 s1, s3;
	s3 =	smov.u32 s9  }
0x6e: {  	[dreg:$0x10] =	wrdreg s1;
	s1 =	sand.u32 s26, s27;
	s3 =	simm.s32 @!p1 $0x80  }
0x6f: {  	p0 =	sgt.s32 s4, $0x0;
	[dreg:$0x11] =	wrdreg s1;
	s1 =	sadd.s32 s1, s3  }
0x70: {  	s28 =	sadd.s32 $0xFFFFFFA0, s25;
	s0 =	ssub.s32 $0xE0, s25;
	s29 =	sadd.s32 $0xFFFFFF80, s1  }
0x71: {  	s5 =	simm.s32 @p0 $0x0;
	s1 =	ssub.s32 $0x100, s1;
	p0 =	sgt.s32 s29, $0x7F  }
0x72: {  	s3 =	sadd.s32 $0x80, s11;
	s1 =	simm.s32 @p0 $0x0;
	p0 =	slt.s32 s2, $0xE0  }
0x73: {  	p1 =	sgt.s32 s28, $0x7F;
	s2 =	simm.s32 @!p0 $0xE0;
	p0 =	slt.s32 s3, $0xE0  }
0x74: {  	s0 =	simm.s32 @p1 $0x0;
	s21 =	ssub.s32 s2, s13;
	s3 =	simm.s32 @!p0 $0xE0  }
0x75: {  	s0 =	smul.u32 s5, s0;
	s22 =	ssub.s32 s3, s11;
	p0 =	slt.s32 s21, $0x1  }
0x76: {  	[dreg:$0x9] =	wrdreg s13;
	p1 =	slt.s32 @!p0 s22, $0x1  }
0x77: {  	[dreg:$0x7] =	wrdreg s11;
	s1 =	smul.u32 s1, s0;
	p0 =	por p0, p1  }
.Ltmp3:
0x78: {  	s31 =	simm.s32 $0x1;
	s0 =	sand.u32 $0x1, s10;
	(pc) =	sbr.rel @p0 .LBB1_14-.Ltmp3, $4  }
0x79: {  	[dreg:$0xf] =	wrdreg s5;
	s30 =	smul.u32 $0x10200, s0;
	s1 =	sand.u32 $0x3FFFFFFF, s1  }
0x7a: {  	_ =	swait.ge [sflag:s31], s1  }
0x7b: {  	s1 =	ssub.s32 $0x0, s1;
	s2 =	sshrl.u32 s30, $0x2;
	[sflag:s31] =	ssyncset.done $0x0  }
0x7c: {  	s20 =	sor.u32 $0x8000, s2;
	[sflag:s31] =	ssyncadd.s32 s1  }
0x7d: {  	s2 =	rddreg [dreg:$0x5]  }
0x7e: {  	s1 =	sadd.s32 $0x80, s2  }
0x7f: {  	p0 =	slt.s32 s1, $0xC0  }
.Ltmp4:
0x80: {  	s1 =	simm.s32 @!p0 $0xC0;
	(pc) =	sbr.rel .LBB1_4-.Ltmp4, $4  }
0x81: {  	s1 =	ssub.s32 s1, s2  }
0x82: {  	s25 =	sshll.u32 s0, $0xE;
	s27 =	simm.s32 $0x0;
	s1 =	sadd.s32 $0xF, s1  }
0x83: {  	s23 =	sand.u32 $0xFFFFFFF0, s1;
	s31 =	sshll.u32 s1, $0x3;
	s24 =	sand.u32 $0xFFFFFF00, s1  }
0x84: {  	p0 =	slt.s32 s1, $0x100;
	s26 =	sand.u32 $0xFFFFF800, s31;
	p1 =	sge.s32 s24, s23  }
.LBB1_13:
0x85: {  	s27 =	sadd.s32 $0x1, s27  }
0x86: {  	p2 =	sne.s32 s27, s21  }
.Ltmp5:
0x87: {  	_ = 	snop;
	(pc) =	sbr.rel @!p2 .LBB1_14-.Ltmp5, $1  }
0x88: {  	_ =	sdelay $0x3  }
.LBB1_4:
.Ltmp6:
0x89: {  	(pc) =	sbr.rel .LBB1_5-.Ltmp6, $4  }
0x8a: {  	s1 =	smul.u32 $0x10200, s27  }
0x8b: {  	s0 =	sshll.u32 s27, $0x10  }
0x8c: {  	s30 =	simm.s32 $0x400;
	s0 =	sshra.s32 s0, $0x2;
	s19 =	sshra.s32 s1, $0x2  }
0x8d: {  	s31 =	simm.s32 $0x0;
	s28 =	sadd.s32 s0, s25;
	s29 =	sadd.s32 s19, s20  }
.LBB1_12:
0x8e: {  	s31 =	sadd.s32 $0x1, s31  }
0x8f: {  	p2 =	sne.s32 s31, s22  }
.Ltmp7:
0x90: {  	_ = 	snop;
	(pc) =	sbr.rel @!p2 .LBB1_13-.Ltmp7, $2  }
0x91: {  	_ =	sdelay $0x2  }
0x92: {  	s30 =	sadd.s32 $0x80, s30  }
.LBB1_5:
.Ltmp8:
0x93: {  	(pc) =	sbr.rel @p0 .LBB1_9-.Ltmp8, $2  }
0x94: {  	_ =	sdelay $0x2  }
0x95: {  	s0 =	sshll.u32 s31, $0x7;
	s1 =	sand.u32 $0x7F, s31  }
0x96: {  	s9 =	sshll.u32 s31, $0x3;
	s5 =	sand.u32 $0x380, s0  }
0x97: {  	s7 =	sshrl.u32 s9, $0x7;
	s2 =	sadd.s32 $0x800, s9;
	s6 =	sadd.s32 $0x1000, s9  }
0x98: {  	s13 =	sadd.s32 s5, s28;
	s14 =	sadd.s32 $0x1800, s9;
	s18 =	sadd.s32 $0x2800, s9  }
0x99: {  	s3 =	sand.u32 $0x78, s7;
	s2 =	sshrl.u32 s2, $0x7;
	s12 =	sshrl.u32 s6, $0x7  }
0x9a: {  	s11 =	sshrl.u32 s14, $0x7;
	s4 =	smul.u32 $0x204, s3;
	s2 =	sand.u32 $0x78, s2  }
0x9b: {  	s14 =	sadd.s32 $0x20, s7;
	s5 =	sand.u32 $0x78, s12;
	s2 =	smul.u32 $0x204, s2  }
0x9c: {  	v0 =	vmov s13;
	s13 =	sand.u32 $0x3C00, s30;
	s15 =	sand.u32 $0x78, s11;
	s5 =	smul.u32 $0x204, s5  }
0x9d: {  	s12 =	sadd.s32 $0x3000, s9;
	s9 =	sadd.s32 $0x3800, s9;
	s16 =	smul.u32 $0x204, s15  }
0x9e: {  	s8 =	sshrl.u32 s12, $0x7;
	s9 =	sshrl.u32 s9, $0x7;
	s12 =	sadd.s32 $0x10, s7  }
0x9f: {  	s15 =	sand.u32 $0x78, s14;
	s14 =	sadd.s32 $0x60, s7;
	s4 =	sshrl.u32 s4, $0x2  }
0xa0: {  	s9 =	sand.u32 $0x78, s9;
	s14 =	sand.u32 $0x78, s14;
	s4 =	sadd.s32 s4, s29  }
0xa1: {  	s2 =	sshrl.u32 s2, $0x2;
	s5 =	sshrl.u32 s5, $0x2;
	s9 =	smul.u32 $0x204, s9  }
0xa2: {  	s10 =	sadd.s32 s2, s29;
	s2 =	sadd.s32 s1, s4;
	s17 =	sadd.s32 s5, s29  }
0xa3: {  	s5 =	sshrl.u32 s18, $0x7;
	s6 =	sadd.s32 s1, s10;
	s4 =	sadd.s32 s1, s17  }
0xa4: {  	s10 =	sshrl.u32 s16, $0x2;
	s5 =	sand.u32 $0x78, s5;
	s9 =	sshrl.u32 s9, $0x2  }
0xa5: {  	s16 =	sadd.s32 $0x30, s7;
	s10 =	sadd.s32 s10, s29;
	s19 =	smul.u32 $0x204, s5  }
0xa6: {  	s9 =	sadd.s32 s9, s29;
	s5 =	sadd.s32 s1, s10;
	s10 =	sand.u32 $0x78, s8  }
0xa7: {  	s8 =	sadd.s32 $0x50, s7;
	s7 =	sadd.s32 $0x70, s7;
	s11 =	sshrl.u32 s19, $0x2  }
0xa8: {  	s10 =	smul.u32 $0x204, s10;
	s7 =	sand.u32 $0x78, s7;
	s11 =	sadd.s32 s11, s29  }
0xa9: {  	s7 =	smul.u32 $0x204, s7;
	s18 =	sadd.s32 s1, s11;
	s11 =	sand.u32 $0x78, s12  }
0xaa: {  	s10 =	sshrl.u32 s10, $0x2;
	s12 =	sand.u32 $0x78, s8;
	s11 =	smul.u32 $0x204, s11  }
0xab: {  	s17 =	sadd.s32 s1, s9;
	s10 =	sadd.s32 s10, s29;
	s12 =	smul.u32 $0x204, s12  }
0xac: {  	s19 =	sadd.s32 s1, s10;
	s10 =	smul.u32 $0x204, s15;
	s11 =	sshrl.u32 s11, $0x2  }
0xad: {  	s9 =	sadd.s32 s11, s29;
	s11 =	sand.u32 $0x78, s16;
	s16 =	smul.u32 $0x204, s14  }
0xae: {  	v1 =	vld.idx.msk [tilespmem:v0+s13+$0x0 ss:$0x1], $0xffff;
	s11 =	smul.u32 $0x204, s11  }
0xaf: {  	s7 =	sshrl.u32 s7, $0x2;
	s12 =	sshrl.u32 s12, $0x2;
	s10 =	sshrl.u32 s10, $0x2  }
0xb0: {  	s10 =	sadd.s32 s10, s29;
	s16 =	sshrl.u32 s16, $0x2;
	s11 =	sshrl.u32 s11, $0x2  }
0xb1: {  	s14 =	sadd.s32 s1, s10;
	s10 =	sadd.s32 s16, s29;
	s15 =	sadd.s32 s11, s29  }
0xb2: {  	s11 =	sadd.s32 s1, s9;
	s9 =	sadd.s32 s12, s29;
	s12 =	sadd.s32 $0xFFFFFC00, s30  }
0xb3: {  	[tilespmem:s2+$0x0 ss:$0x81] =	vst.msk $0xffff, v1;
	v1 =	vld.idx.msk [tilespmem:v0+s13+$0x20 ss:$0x1], $0xffff;
	s8 =	sadd.s32 s7, s29;
	s7 =	sadd.s32 s1, s10;
	s10 =	sand.u32 $0x3C00, s12  }
0xb4: {  	v2 =	vld.idx.msk [tilespmem:v0+s10+$0x70 ss:$0x1], $0xffff  }
0xb5: {  	v3 =	vld.idx.msk [tilespmem:v0+s10+$0x0 ss:$0x1], $0xffff  }
0xb6: {  	v4 =	vld.idx.msk [tilespmem:v0+s10+$0x10 ss:$0x1], $0xffff  }
0xb7: {  	v5 =	vld.idx.msk [tilespmem:v0+s10+$0x20 ss:$0x1], $0xffff  }
0xb8: {  	s3 =	sxor.u32 $0x40, s3;
	v6 =	vld.idx.msk [tilespmem:v0+s10+$0x30 ss:$0x1], $0xffff  }
0xb9: {  	s3 =	smul.u32 $0x204, s3;
	v7 =	vld.idx.msk [tilespmem:v0+s10+$0x40 ss:$0x1], $0xffff;
	[tilespmem:s17+$0x0 ss:$0x81] =	vst.msk $0xffff, v2  }
0xba: {  	v8 =	vld.idx.msk [tilespmem:v0+s10+$0x50 ss:$0x1], $0xffff;
	[tilespmem:s2+$0x0 ss:$0x81] =	vst.msk $0xffff, v3  }
0xbb: {  	p2 =	sgt.s32 s24, $0x100;
	s3 =	sshrl.u32 s3, $0x2;
	v9 =	vld.idx.msk [tilespmem:v0+s10+$0x60 ss:$0x1], $0xffff;
	[tilespmem:s6+$0x0 ss:$0x81] =	vst.msk $0xffff, v4  }
.Ltmp9:
0xbc: {  	s3 =	sadd.s32 s3, s29;
	v4 =	vld.idx.msk [tilespmem:v0+s13+$0x10 ss:$0x1], $0xffff;
	[tilespmem:s4+$0x0 ss:$0x81] =	vst.msk $0xffff, v5;
	(pc) =	sbr.rel @!p2 .LBB1_8-.Ltmp9, $4  }
0xbd: {  	s3 =	sadd.s32 s1, s3;
	[tilespmem:s5+$0x0 ss:$0x81] =	vst.msk $0xffff, v6;
	v2 =	vld.idx.msk [tilespmem:v0+s13+$0x30 ss:$0x1], $0xffff  }
0xbe: {  	[tilespmem:s3+$0x0 ss:$0x81] =	vst.msk $0xffff, v7;
	v3 =	vld.idx.msk [tilespmem:v0+s13+$0x40 ss:$0x1], $0xffff  }
0xbf: {  	s15 =	sadd.s32 s1, s15;
	s16 =	sadd.s32 s1, s9;
	[tilespmem:s18+$0x0 ss:$0x81] =	vst.msk $0xffff, v8;
	v5 =	vld.idx.msk [tilespmem:v0+s13+$0x50 ss:$0x1], $0xffff  }
0xc0: {  	s9 =	sadd.s32 s1, s8;
	s12 =	sadd.s32 $0x800, s30;
	s10 =	simm.s32 $0x100;
	[tilespmem:s19+$0x0 ss:$0x81] =	vst.msk $0xffff, v9;
	v6 =	vld.idx.msk [tilespmem:v0+s13+$0x60 ss:$0x1], $0xffff  }
.LBB1_7:
0xc1: {  	s8 =	sadd.s32 $0xFFFFFC00, s12;
	s10 =	sadd.s32 $0x100, s10;
	[tilespmem:s11+$0x0 ss:$0x81] =	vst.msk $0xffff, v4;
	v4 =	vld.idx.msk [tilespmem:v0+s13+$0x70 ss:$0x1], $0xffff;
	s13 =	sand.u32 $0x3C00, s12  }
0xc2: {  	s8 =	sand.u32 $0x3C00, s8;
	v7 =	vld.idx.msk [tilespmem:v0+s13+$0x0 ss:$0x1], $0xffff;
	p2 =	slt.s32 s10, s24;
	[tilespmem:s14+$0x0 ss:$0x81] =	vst.msk $0xffff, v1  }
0xc3: {  	v1 =	vld.idx.msk [tilespmem:v0+s8+$0x70 ss:$0x1], $0xffff;
	[tilespmem:s15+$0x0 ss:$0x81] =	vst.msk $0xffff, v2  }
0xc4: {  	v2 =	vld.idx.msk [tilespmem:v0+s8+$0x0 ss:$0x1], $0xffff;
	[tilespmem:s3+$0x0 ss:$0x81] =	vst.msk $0xffff, v3  }
0xc5: {  	v3 =	vld.idx.msk [tilespmem:v0+s8+$0x10 ss:$0x1], $0xffff;
	[tilespmem:s16+$0x0 ss:$0x81] =	vst.msk $0xffff, v5  }
0xc6: {  	v5 =	vld.idx.msk [tilespmem:v0+s8+$0x20 ss:$0x1], $0xffff;
	[tilespmem:s7+$0x0 ss:$0x81] =	vst.msk $0xffff, v6  }
0xc7: {  	v6 =	vld.idx.msk [tilespmem:v0+s8+$0x30 ss:$0x1], $0xffff;
	[tilespmem:s9+$0x0 ss:$0x81] =	vst.msk $0xffff, v4  }
0xc8: {  	v8 =	vld.idx.msk [tilespmem:v0+s8+$0x40 ss:$0x1], $0xffff;
	[tilespmem:s2+$0x0 ss:$0x81] =	vst.msk $0xffff, v7  }
0xc9: {  	v7 =	vld.idx.msk [tilespmem:v0+s8+$0x50 ss:$0x1], $0xffff;
	[tilespmem:s17+$0x0 ss:$0x81] =	vst.msk $0xffff, v1  }
0xca: {  	[tilespmem:s2+$0x0 ss:$0x81] =	vst.msk $0xffff, v2;
	v9 =	vld.idx.msk [tilespmem:v0+s8+$0x60 ss:$0x1], $0xffff  }
0xcb: {  	[tilespmem:s6+$0x0 ss:$0x81] =	vst.msk $0xffff, v3;
	v4 =	vld.idx.msk [tilespmem:v0+s13+$0x10 ss:$0x1], $0xffff  }
.Ltmp10:
0xcc: {  	[tilespmem:s4+$0x0 ss:$0x81] =	vst.msk $0xffff, v5;
	v1 =	vld.idx.msk [tilespmem:v0+s13+$0x20 ss:$0x1], $0xffff;
	(pc) =	sbr.rel @p2 .LBB1_7-.Ltmp10, $4  }
0xcd: {  	[tilespmem:s5+$0x0 ss:$0x81] =	vst.msk $0xffff, v6;
	v2 =	vld.idx.msk [tilespmem:v0+s13+$0x30 ss:$0x1], $0xffff  }
0xce: {  	[tilespmem:s3+$0x0 ss:$0x81] =	vst.msk $0xffff, v8;
	v3 =	vld.idx.msk [tilespmem:v0+s13+$0x40 ss:$0x1], $0xffff  }
0xcf: {  	[tilespmem:s18+$0x0 ss:$0x81] =	vst.msk $0xffff, v7;
	v5 =	vld.idx.msk [tilespmem:v0+s13+$0x50 ss:$0x1], $0xffff  }
0xd0: {  	s12 =	sadd.s32 $0x800, s12;
	[tilespmem:s19+$0x0 ss:$0x81] =	vst.msk $0xffff, v9;
	v6 =	vld.idx.msk [tilespmem:v0+s13+$0x60 ss:$0x1], $0xffff  }
.LBB1_8:
0xd1: {  	_ =	sdelay $0x2  }
0xd2: {  	[tilespmem:s11+$0x0 ss:$0x81] =	vst.msk $0xffff, v4  }
0xd3: {  	v0 =	vld.idx.msk [tilespmem:v0+s13+$0x70 ss:$0x1], $0xffff;
	[tilespmem:s14+$0x0 ss:$0x81] =	vst.msk $0xffff, v1  }
0xd4: {  	[tilespmem:s15+$0x0 ss:$0x81] =	vst.msk $0xffff, v2  }
0xd5: {  	[tilespmem:s3+$0x0 ss:$0x81] =	vst.msk $0xffff, v3  }
0xd6: {  	[tilespmem:s16+$0x0 ss:$0x81] =	vst.msk $0xffff, v5  }
0xd7: {  	[tilespmem:s7+$0x0 ss:$0x81] =	vst.msk $0xffff, v6  }
0xd8: {  	[tilespmem:s9+$0x0 ss:$0x81] =	vst.msk $0xffff, v0  }
.LBB1_9:
.Ltmp11:
0xd9: {  	(pc) =	sbr.rel @p1 .LBB1_12-.Ltmp11, $1  }
0xda: {  	_ =	sdelay $0x3  }
0xdb: {  	s3 =	sand.u32 $0x380, s0;
	s2 =	sshrl.u32 s31, $0x4;
	s1 =	sadd.s32 s1, s29  }
0xdc: {  	s4 =	smov.u32 s26;
	s5 =	smov.u32 s24;
	s3 =	sadd.s32 s3, s28  }
.LBB1_11:
0xdd: {  	s6 =	sand.u32 $0x3C00, s4  }
0xde: {  	s6 =	sadd.s32 s0, s6  }
0xdf: {  	s6 =	sand.u32 $0x3C00, s6  }
0xe0: {  	s7 =	sand.u32 $0x70, s5;
	s18 =	sadd.s32 s5, s2;
	s6 =	sadd.s32 s6, s3  }
0xe1: {  	s5 =	sadd.s32 $0x10, s5;
	s19 =	sand.u32 $0x78, s18;
	s6 =	sadd.s32 s7, s6  }
0xe2: {  	p2 =	slt.s32 s5, s23;
	v0 =	vld [tilespmem:s6+$0x0];
	s6 =	smul.u32 $0x204, s19  }
.Ltmp12:
0xe3: {  	_ = 	snop;
	(pc) =	sbr.rel @p2 .LBB1_11-.Ltmp12, $4  }
0xe4: {  	_ = 	snop  }
0xe5: {  	s6 =	sshrl.u32 s6, $0x2  }
0xe6: {  	s6 =	sadd.s32 s6, s1  }
0xe7: {  	s4 =	sadd.s32 $0x80, s4;
	[tilespmem:s6+$0x0 ss:$0x81] =	vst.msk $0xffff, v0  }
.Ltmp13:
0xe8: {  	_ = 	snop;
	(pc) =	sbr.rel .LBB1_12-.Ltmp13, $1  }
0xe9: {  	_ =	sdelay $0x3  }
.LBB1_16:
0xea: {  	_ =	sfence.sel $0x180000  }
0xeb: {  	s0 =	simm.s32 $0x1;
	[bflag:$0x0] =	sbarrier.arrive $0xFFFF  }
0xec: {  	s30 =	simm.s32 $0x2;
	[sflag:s0] =	ssyncpa.u1 $0x1  }
0xed: {  	[sflag:s30] =	ssyncpa.u1 $0x1  }
0xee: {  	_ =	strace $0x9000004A  }
0xef: {  	s31 =	stileid.u32;
	[bflag:$0x2] =	sbarrier.arrive $0xFFFF  }
0xf0: {  	p0 =	sne.s32 s31, $0x0;
	s0 =	rddreg [dreg:$0x2]  }
0xf1: {  	s0 =	sadd.s32 @!p0 $0x100000, s0  }
0xf2: {  	[sflag:s0] =	ssyncadd.tile.s32 @!p0 $0x1;
	_ =	shalt  }
.Lfunc_end1:
_tile_overlayer_lowered:
.L_overlay_start_2:
0xf3: {  	(tag) =	ssettag $0x2  }
0xf4: {  	s0 =	rddreg [dreg:$0x0];
	s2 =	stileid.u32  }
0xf5: {  	s1 =	rddreg [dreg:$0x1];
	p0 =	sne.s32 s2, $0x0  }
0xf6: {  	s3 =	rddreg [dreg:$0x2];
	[bflag:$0x3] =	sbarrier.arrive $0xFFFF;
	s2 =	simm.s32 @!p0 $0x1C01  }
0xf7: {  	[timem:s3], [sflag:s2] =	dma.local @!p0 [hbm:s0], s1  }
0xf8: {  	s0 =	simm.s32 @!p0 $0x1  }
0xf9: {  	_ =	swait.ge @!p0 [sflag:s0], s1  }
0xfa: {  	s1 =	ssub.s32 @!p0 $0x0, s1;
	[sflag:s0] =	ssyncset.done @!p0 $0x0  }
0xfb: {  	[sflag:s0] =	ssyncadd.s32 @!p0 s1  }
0xfc: {  	[bflag:$0x3] =	sbarrier.arrive $0xFFFF  }
0xfd: {  	_ =	shalt  }

</sc_bundles>
